<compile_context>
chip_gen: v7x
topology: tpu7x:2x2x1
jax: 0.10.2.dev20260603
libtpu: 0.0.44.dev20260713+nightly
codegen_flags: <defaults>
</compile_context>

<pallas_src>
import functools

import jax
import jax.numpy as jnp
from jax import lax
from jax.experimental import pallas as pl
from jax.experimental.pallas import tpu as pltpu
from jax.experimental.pallas import tpu_sc as plsc

CH = 128
N_PAD = 10240
NW = 32
C = 128
L = 16
BLK = 256


def _sc_mesh():
    return plsc.VectorSubcoreMesh(core_axis_name="c", subcore_axis_name="s")


@functools.lru_cache(maxsize=None)
def _deg_call(nch):
    @functools.partial(
        pl.kernel,
        out_type=jax.ShapeDtypeStruct((NW, N_PAD), jnp.float32),
        mesh=_sc_mesh(),
        scratch_types=[
            pltpu.VMEM((nch * C,), jnp.int32),
            pltpu.VMEM((N_PAD,), jnp.float32),
        ],
        compiler_params=pltpu.CompilerParams(needs_layout_passes=False),
    )
    def deg_kernel(dst_hbm, degp_hbm, dbuf, hist):
        cid = lax.axis_index("c")
        sid = lax.axis_index("s")
        wid = sid * 2 + cid
        pltpu.sync_copy(dst_hbm.at[wid], dbuf)
        zeros = jnp.zeros((L,), jnp.float32)
        ones = jnp.ones((L,), jnp.float32)

        def zero_body(i, carry):
            hist[pl.ds(i * L, L)] = zeros
            return carry

        lax.fori_loop(0, N_PAD // L, zero_body, 0)

        def vec_body(j, carry):
            d16 = dbuf[pl.ds(j * L, L)]
            plsc.addupdate_scatter(hist, [d16], ones)
            return carry

        lax.fori_loop(0, (nch * C) // L, vec_body, 0)
        pltpu.sync_copy(hist, degp_hbm.at[wid])

    return deg_kernel


@functools.lru_cache(maxsize=None)
def _scatter_call(nch):
    @functools.partial(
        pl.kernel,
        out_type=jax.ShapeDtypeStruct((2, N_PAD, CH), jnp.float32),
        mesh=_sc_mesh(),
        scratch_types=[
            pltpu.VMEM((nch, C), jnp.int32),
            pltpu.VMEM((nch, C), jnp.int32),
            pltpu.VMEM((C, CH), jnp.float32),
            pltpu.VMEM_SHARED((N_PAD, CH), jnp.float32),
            pltpu.SemaphoreType.DMA,
        ],
        compiler_params=pltpu.CompilerParams(needs_layout_passes=False),
    )
    def scatter_kernel(src_hbm, dst_hbm, h2_hbm, out_hbm, sidx, didx, rows,
                       accum, sem):
        cid = lax.axis_index("c")
        sid = lax.axis_index("s")
        wid = sid * 2 + cid
        pltpu.sync_copy(src_hbm.at[wid], sidx)
        pltpu.sync_copy(dst_hbm.at[wid], didx)
        zeros = jnp.zeros((L,), jnp.float32)

        def zrow(i, carry):
            r = i // (CH // L)
            k = i % (CH // L)
            rows[r, pl.ds(k * L, L)] = zeros
            return carry

        lax.fori_loop(0, C * (CH // L), zrow, 0)
        rows_per_tile = N_PAD // 16
        base = sid * rows_per_tile

        def zslice(k, carry):
            pltpu.sync_copy(rows, accum.at[pl.ds(base + k * C, C)])
            return carry

        lax.fori_loop(0, rows_per_tile // C, zslice, 0)
        plsc.subcore_barrier()

        def chunk(g, carry):
            pltpu.async_copy(h2_hbm.at[sidx.at[g]], rows, sem).wait()
            pltpu.sync_copy(rows, accum.at[didx.at[g]], add=True)
            return carry

        lax.fori_loop(0, nch, chunk, 0)
        plsc.subcore_barrier()
        pltpu.sync_copy(accum.at[pl.ds(base, rows_per_tile)],
                        out_hbm.at[cid, pl.ds(base, rows_per_tile)])

    return scatter_kernel


def _h2_body(x_ref, w_ref, degp_ref, h2_ref):
    deg = jnp.sum(degp_ref[...], axis=0)
    dis = lax.rsqrt(jnp.maximum(deg, 1.0))
    h = jnp.dot(x_ref[...], w_ref[...], preferred_element_type=jnp.float32)
    h2_ref[...] = h * dis[:, None]


_h2_kernel = pl.pallas_call(
    _h2_body,
    grid=(N_PAD // BLK,),
    in_specs=[
        pl.BlockSpec((BLK, CH), lambda i: (i, 0)),
        pl.BlockSpec((CH, CH), lambda i: (0, 0)),
        pl.BlockSpec((NW, BLK), lambda i: (0, i)),
    ],
    out_specs=pl.BlockSpec((BLK, CH), lambda i: (i, 0)),
    out_shape=jax.ShapeDtypeStruct((N_PAD, CH), jnp.float32),
)


def _out_body(p0_ref, p1_ref, degp_ref, b_ref, o_ref):
    deg = jnp.sum(degp_ref[...], axis=0)
    dis = lax.rsqrt(jnp.maximum(deg, 1.0))
    acc = (p0_ref[...] + p1_ref[...]) * dis[:, None]
    o_ref[...] = jnp.maximum(acc + b_ref[...], 0.0)


_out_kernel = pl.pallas_call(
    _out_body,
    grid=(N_PAD // BLK,),
    in_specs=[
        pl.BlockSpec((BLK, CH), lambda i: (i, 0)),
        pl.BlockSpec((BLK, CH), lambda i: (i, 0)),
        pl.BlockSpec((NW, BLK), lambda i: (0, i)),
        pl.BlockSpec((1, CH), lambda i: (0, 0)),
    ],
    out_specs=pl.BlockSpec((BLK, CH), lambda i: (i, 0)),
    out_shape=jax.ShapeDtypeStruct((N_PAD, CH), jnp.float32),
)


@jax.jit
def kernel(x, edge_index, W, b):
    n = x.shape[0]
    src = edge_index[0].astype(jnp.int32)
    dst = edge_index[1].astype(jnp.int32)
    loop = jnp.arange(n, dtype=jnp.int32)
    e_real = src.shape[0] + n
    ept = -(-e_real // (NW * C)) * C
    e_pad = ept * NW
    nch = ept // C
    pad = e_pad - e_real
    fill = jnp.full((pad,), n, jnp.int32)
    src_all = jnp.concatenate([src, loop, fill]).reshape(NW, nch, C)
    dst_all = jnp.concatenate([dst, loop, fill]).reshape(NW, nch, C)
    x_pad = jnp.concatenate([x, jnp.zeros((N_PAD - n, CH), x.dtype)], axis=0)

    degp = _deg_call(nch)(dst_all.reshape(NW, nch * C))
    h2 = _h2_kernel(x_pad, W, degp)
    partials = _scatter_call(nch)(src_all, dst_all, h2)
    out = _out_kernel(partials[0], partials[1], degp, b.reshape(1, CH))
    return out[:n]

# --- scband reference (transcript-rebuilt; emitter-appended) ---
"""Pipeline reference for scband-gcn-net-69707319214250 (READ-ONLY COPY).

The authoritative reference and input builder live on the scoring server;
editing this copy changes nothing except your own understanding.
"""

import jax, jax.numpy as jnp
import numpy as np

N_NODES = 10000
IN_CH = 128
OUT_CH = 128
N_EDGES = 320000

def setup_inputs(seed: int = 0) -> dict:
    key = jax.random.key(seed)
    k_x, k_e, k_w, k_b = jax.random.split(key, 4)
    x = jax.random.normal(k_x, (N_NODES, IN_CH), dtype=jnp.float32)
    edge_index = jax.random.randint(k_e, (2, N_EDGES), 0, N_NODES, dtype=jnp.int64)
    # GCNConv learned params (glorot weight, zero bias as in PyG default)
    limit = np.sqrt(6.0 / (IN_CH + OUT_CH))
    W = jax.random.uniform(k_w, (IN_CH, OUT_CH), minval=-limit, maxval=limit, dtype=jnp.float32)
    b = jnp.zeros((OUT_CH,), dtype=jnp.float32)
    return {"x": x, "edge_index": edge_index, "W": W, "b": b}

def reference(x, edge_index, W, b):
    # GCNConv with add_self_loops=True, normalize=True (PyG semantics), then ReLU
    N = x.shape[0]
    src = edge_index[0]
    dst = edge_index[1]
    loop = jnp.arange(N, dtype=edge_index.dtype)
    src = jnp.concatenate([src, loop], axis=0)
    dst = jnp.concatenate([dst, loop], axis=0)
    # linear transform
    h = x @ W
    # symmetric normalization: deg computed on destination nodes
    deg = jnp.zeros((N,), dtype=h.dtype).at[dst].add(1.0)
    deg_inv_sqrt = 1.0 / jnp.sqrt(deg)
    deg_inv_sqrt = jnp.where(jnp.isinf(deg_inv_sqrt), 0.0, deg_inv_sqrt)
    norm = deg_inv_sqrt[src] * deg_inv_sqrt[dst]
    # gather messages from source nodes, scale, scatter-add to destinations
    msg = h[src] * norm[:, None]
    out = jnp.zeros((N, h.shape[1]), dtype=h.dtype).at[dst].add(msg)
    out = out + b
    return jax.nn.relu(out)

if __name__ == "__main__":
    import jax
    _d = setup_inputs()
    print(jax.jit(kernel)(*tuple(_d.values())))

</pallas_src>

<mosaic_0001>
#map = affine_map<(d0, d1) -> (0, 0, 0)>
#map1 = affine_map<(d0, d1) -> (0, 0)>
module attributes {stable_mosaic.version = 14 : i64} {
  func.func @scatter_kernel(%arg0: i32, %arg1: i32, %arg2: memref<32x81x128xi32, #tpu.memory_space<hbm>>, %arg3: memref<32x81x128xi32, #tpu.memory_space<hbm>>, %arg4: memref<10240x128xf32, #tpu.memory_space<hbm>>, %arg5: memref<2x10240x128xf32, #tpu.memory_space<hbm>>, %arg6: memref<81x128xi32, #tpu.memory_space<vmem>>, %arg7: memref<81x128xi32, #tpu.memory_space<vmem>>, %arg8: memref<128x128xf32, #tpu.memory_space<vmem>>, %arg9: memref<10240x128xf32, #tpu.memory_space<vmem_shared>>, %arg10: memref<!tpu.dma_semaphore, #tpu.memory_space<semaphore_mem>>) attributes {dimension_semantics = [#tpu.dimension_semantics<core_parallel>, #tpu.dimension_semantics<subcore_parallel>], iteration_bounds = array<i64: 2, 16>, scalar_prefetch = 0 : i64, scratch_operands = 5 : i64, tpu.core_type = #tpu.core_type<sc_vector_subcore>, window_params = [{transform_indices = #map}, {transform_indices = #map}, {transform_indices = #map1}, {transform_indices = #map}]} {
    %mul3A = arith.constant 2 : i32
    %mul3A_0 = arith.muli %arg1, %mul3A : i32
    %add3A = arith.addi %mul3A_0, %arg0 : i32
    "tpu.region"() ({
      %run_scoped3A = tpu.sem_alloc : memref<!tpu.dma_semaphore, #tpu.memory_space<semaphore_mem>>
      %dma_start3A = arith.constant 0 : i32
      %dma_start3A_22 = arith.constant 0 : i32
      %dma_start3A_23 = tpu.memref_slice %arg2[%add3A, %dma_start3A, %dma_start3A_22] : memref<32x81x128xi32, #tpu.memory_space<hbm>> -> memref<1x81x128xi32, #tpu.memory_space<hbm>>
      %dma_start3A_24 = tpu.memref_squeeze %dma_start3A_23 : memref<1x81x128xi32, #tpu.memory_space<hbm>> -> memref<81x128xi32, #tpu.memory_space<hbm>>
      %dma_start3A_25 = arith.constant 0 : i32
      %dma_start3A_26 = arith.constant 0 : i32
      %dma_start3A_27 = tpu.memref_slice %arg2[%add3A, %dma_start3A_25, %dma_start3A_26] : memref<32x81x128xi32, #tpu.memory_space<hbm>> -> memref<1x81x128xi32, #tpu.memory_space<hbm>>
      %dma_start3A_28 = tpu.memref_squeeze %dma_start3A_27 : memref<1x81x128xi32, #tpu.memory_space<hbm>> -> memref<81x128xi32, #tpu.memory_space<hbm>>
      tpu.enqueue_dma source(%dma_start3A_28 : memref<81x128xi32, #tpu.memory_space<hbm>>) target(%arg6 : memref<81x128xi32, #tpu.memory_space<vmem>>) target_semaphore(%run_scoped3A : memref<!tpu.dma_semaphore, #tpu.memory_space<semaphore_mem>>)
      %dma_wait3A = arith.constant 0 : i32
      %dma_wait3A_29 = arith.constant 0 : i32
      %dma_wait3A_30 = tpu.memref_slice %arg2[%add3A, %dma_wait3A, %dma_wait3A_29] : memref<32x81x128xi32, #tpu.memory_space<hbm>> -> memref<1x81x128xi32, #tpu.memory_space<hbm>>
      %dma_wait3A_31 = tpu.memref_squeeze %dma_wait3A_30 : memref<1x81x128xi32, #tpu.memory_space<hbm>> -> memref<81x128xi32, #tpu.memory_space<hbm>>
      %dma_wait3A_32 = arith.constant 0 : i32
      %dma_wait3A_33 = arith.constant 0 : i32
      %dma_wait3A_34 = tpu.memref_slice %arg2[%add3A, %dma_wait3A_32, %dma_wait3A_33] : memref<32x81x128xi32, #tpu.memory_space<hbm>> -> memref<1x81x128xi32, #tpu.memory_space<hbm>>
      %dma_wait3A_35 = tpu.memref_squeeze %dma_wait3A_34 : memref<1x81x128xi32, #tpu.memory_space<hbm>> -> memref<81x128xi32, #tpu.memory_space<hbm>>
      tpu.wait_dma2 semaphore(%run_scoped3A : memref<!tpu.dma_semaphore, #tpu.memory_space<semaphore_mem>>) src(%dma_wait3A_35 : memref<81x128xi32, #tpu.memory_space<hbm>>) dst(%arg6 : memref<81x128xi32, #tpu.memory_space<vmem>>)
      tpu.yield
    }) : () -> ()
    "tpu.region"() ({
      %run_scoped3A = tpu.sem_alloc : memref<!tpu.dma_semaphore, #tpu.memory_space<semaphore_mem>>
      %dma_start3A = arith.constant 0 : i32
      %dma_start3A_22 = arith.constant 0 : i32
      %dma_start3A_23 = tpu.memref_slice %arg3[%add3A, %dma_start3A, %dma_start3A_22] : memref<32x81x128xi32, #tpu.memory_space<hbm>> -> memref<1x81x128xi32, #tpu.memory_space<hbm>>
      %dma_start3A_24 = tpu.memref_squeeze %dma_start3A_23 : memref<1x81x128xi32, #tpu.memory_space<hbm>> -> memref<81x128xi32, #tpu.memory_space<hbm>>
      %dma_start3A_25 = arith.constant 0 : i32
      %dma_start3A_26 = arith.constant 0 : i32
      %dma_start3A_27 = tpu.memref_slice %arg3[%add3A, %dma_start3A_25, %dma_start3A_26] : memref<32x81x128xi32, #tpu.memory_space<hbm>> -> memref<1x81x128xi32, #tpu.memory_space<hbm>>
      %dma_start3A_28 = tpu.memref_squeeze %dma_start3A_27 : memref<1x81x128xi32, #tpu.memory_space<hbm>> -> memref<81x128xi32, #tpu.memory_space<hbm>>
      tpu.enqueue_dma source(%dma_start3A_28 : memref<81x128xi32, #tpu.memory_space<hbm>>) target(%arg7 : memref<81x128xi32, #tpu.memory_space<vmem>>) target_semaphore(%run_scoped3A : memref<!tpu.dma_semaphore, #tpu.memory_space<semaphore_mem>>)
      %dma_wait3A = arith.constant 0 : i32
      %dma_wait3A_29 = arith.constant 0 : i32
      %dma_wait3A_30 = tpu.memref_slice %arg3[%add3A, %dma_wait3A, %dma_wait3A_29] : memref<32x81x128xi32, #tpu.memory_space<hbm>> -> memref<1x81x128xi32, #tpu.memory_space<hbm>>
      %dma_wait3A_31 = tpu.memref_squeeze %dma_wait3A_30 : memref<1x81x128xi32, #tpu.memory_space<hbm>> -> memref<81x128xi32, #tpu.memory_space<hbm>>
      %dma_wait3A_32 = arith.constant 0 : i32
      %dma_wait3A_33 = arith.constant 0 : i32
      %dma_wait3A_34 = tpu.memref_slice %arg3[%add3A, %dma_wait3A_32, %dma_wait3A_33] : memref<32x81x128xi32, #tpu.memory_space<hbm>> -> memref<1x81x128xi32, #tpu.memory_space<hbm>>
      %dma_wait3A_35 = tpu.memref_squeeze %dma_wait3A_34 : memref<1x81x128xi32, #tpu.memory_space<hbm>> -> memref<81x128xi32, #tpu.memory_space<hbm>>
      tpu.wait_dma2 semaphore(%run_scoped3A : memref<!tpu.dma_semaphore, #tpu.memory_space<semaphore_mem>>) src(%dma_wait3A_35 : memref<81x128xi32, #tpu.memory_space<hbm>>) dst(%arg7 : memref<81x128xi32, #tpu.memory_space<vmem>>)
      tpu.yield
    }) : () -> ()
    %broadcast_in_dim3A = arith.constant 0.000000e+00 : f32
    %broadcast_in_dim3A_1 = vector.broadcast %broadcast_in_dim3A : f32 to vector<16xf32>
    %scan3A = arith.constant 0 : i32
    %scan3A_2 = arith.constant 0 : i32
    %scan3A_3 = arith.constant 1024 : i32
    %scan3A_4 = arith.addi %scan3A_2, %scan3A_3 : i32
    %scan3A_5 = arith.constant 1 : i32
    scf.for %scan3A_22 = %scan3A_2 to %scan3A_4 step %scan3A_5  : i32 {
      %jit3A = arith.constant 8 : i32
      %div3A = arith.divsi %scan3A_22, %jit3A : i32
      %sign3A = arith.constant 0 : i32
      %sign3A_23 = arith.cmpi sgt, %scan3A_22, %sign3A : i32
      %sign3A_24 = arith.extui %sign3A_23 : i1 to i32
      %sign3A_25 = arith.constant 0 : i32
      %sign3A_26 = arith.cmpi slt, %scan3A_22, %sign3A_25 : i32
      %sign3A_27 = arith.extui %sign3A_26 : i1 to i32
      %sign3A_28 = arith.subi %sign3A_24, %sign3A_27 : i32
      %sign3A_29 = arith.constant 0 : i32
      %sign3A_30 = arith.cmpi sgt, %jit3A, %sign3A_29 : i32
      %sign3A_31 = arith.extui %sign3A_30 : i1 to i32
      %sign3A_32 = arith.constant 0 : i32
      %sign3A_33 = arith.cmpi slt, %jit3A, %sign3A_32 : i32
      %sign3A_34 = arith.extui %sign3A_33 : i1 to i32
      %sign3A_35 = arith.subi %sign3A_31, %sign3A_34 : i32
      %ne3A = arith.cmpi ne, %sign3A_28, %sign3A_35 : i32
      %rem3A = arith.remsi %scan3A_22, %jit3A : i32
      %ne3A_36 = arith.constant 0 : i32
      %ne3A_37 = arith.cmpi ne, %rem3A, %ne3A_36 : i32
      %and3A = arith.andi %ne3A, %ne3A_37 : i1
      %sub3A = arith.constant 1 : i32
      %sub3A_38 = arith.subi %div3A, %sub3A : i32
      %select_n3A = arith.select %and3A, %sub3A_38, %div3A : i32
      %jit3A_39 = arith.constant 8 : i32
      %eq3A = arith.constant 0 : i32
      %eq3A_40 = arith.cmpi eq, %jit3A_39, %eq3A : i32
      %jit3A_41 = arith.constant 1 : i32
      %select_n3A_42 = arith.select %eq3A_40, %jit3A_41, %jit3A_39 : i32
      %rem3A_43 = arith.remsi %scan3A_22, %select_n3A_42 : i32
      %ne3A_44 = arith.constant 0 : i32
      %ne3A_45 = arith.cmpi ne, %rem3A_43, %ne3A_44 : i32
      %lt3A = arith.constant 0 : i32
      %lt3A_46 = arith.cmpi slt, %rem3A_43, %lt3A : i32
      %lt3A_47 = arith.constant 0 : i32
      %lt3A_48 = arith.cmpi slt, %select_n3A_42, %lt3A_47 : i32
      %ne3A_49 = arith.xori %lt3A_46, %lt3A_48 : i1
      %and3A_50 = arith.andi %ne3A_49, %ne3A_45 : i1
      %add3A_51 = arith.addi %rem3A_43, %select_n3A_42 : i32
      %select_n3A_52 = arith.select %and3A_50, %add3A_51, %rem3A_43 : i32
      %mul3A_53 = arith.constant 16 : i32
      %mul3A_54 = arith.muli %select_n3A_52, %mul3A_53 : i32
      %swap3A = arith.index_cast %select_n3A : i32 to index
      %swap3A_55 = arith.index_cast %mul3A_54 : i32 to index
      %swap3A_56 = tpu.vector_load %arg8[%swap3A, %swap3A_55] {strides = array<i32>} : memref<128x128xf32, #tpu.memory_space<vmem>>, vector<16xf32>,
      tpu.vector_store %arg8[%swap3A, %swap3A_55], %broadcast_in_dim3A_1 {strides = array<i32>} : memref<128x128xf32, #tpu.memory_space<vmem>>, vector<16xf32>,
    }
    %scan3A_6 = arith.constant 1024 : i32
    %mul3A_7 = arith.constant 640 : i32
    %mul3A_8 = arith.muli %arg1, %mul3A_7 : i32
    %scan3A_9 = arith.constant 0 : i32
    %scan3A_10 = arith.constant 0 : i32
    %scan3A_11 = arith.constant 5 : i32
    %scan3A_12 = arith.addi %scan3A_10, %scan3A_11 : i32
    %scan3A_13 = arith.constant 1 : i32
    scf.for %scan3A_22 = %scan3A_10 to %scan3A_12 step %scan3A_13  : i32 {
      %mul3A_23 = arith.constant 128 : i32
      %mul3A_24 = arith.muli %scan3A_22, %mul3A_23 : i32
      %add3A_25 = arith.addi %mul3A_8, %mul3A_24 : i32
      "tpu.region"() ({
        %run_scoped3A = tpu.sem_alloc : memref<!tpu.dma_semaphore, #tpu.memory_space<semaphore_mem>>
        %dma_start3A = arith.constant 0 : i32
        %dma_start3A_26 = tpu.memref_slice %arg9[%add3A_25, %dma_start3A] : memref<10240x128xf32, #tpu.memory_space<vmem_shared>> -> memref<128x128xf32, #tpu.memory_space<vmem_shared>>
        %dma_start3A_27 = arith.constant 0 : i32
        %dma_start3A_28 = tpu.memref_slice %arg9[%add3A_25, %dma_start3A_27] : memref<10240x128xf32, #tpu.memory_space<vmem_shared>> -> memref<128x128xf32, #tpu.memory_space<vmem_shared>>
        tpu.enqueue_dma source(%arg8 : memref<128x128xf32, #tpu.memory_space<vmem>>) target(%dma_start3A_28 : memref<128x128xf32, #tpu.memory_space<vmem_shared>>) target_semaphore(%run_scoped3A : memref<!tpu.dma_semaphore, #tpu.memory_space<semaphore_mem>>)
        %dma_wait3A = arith.constant 0 : i32
        %dma_wait3A_29 = tpu.memref_slice %arg9[%add3A_25, %dma_wait3A] : memref<10240x128xf32, #tpu.memory_space<vmem_shared>> -> memref<128x128xf32, #tpu.memory_space<vmem_shared>>
        %dma_wait3A_30 = arith.constant 0 : i32
        %dma_wait3A_31 = tpu.memref_slice %arg9[%add3A_25, %dma_wait3A_30] : memref<10240x128xf32, #tpu.memory_space<vmem_shared>> -> memref<128x128xf32, #tpu.memory_space<vmem_shared>>
        tpu.wait_dma2 semaphore(%run_scoped3A : memref<!tpu.dma_semaphore, #tpu.memory_space<semaphore_mem>>) src(%arg8 : memref<128x128xf32, #tpu.memory_space<vmem>>) dst(%dma_wait3A_31 : memref<128x128xf32, #tpu.memory_space<vmem_shared>>)
        tpu.yield
      }) : () -> ()
    }
    %scan3A_14 = arith.constant 5 : i32
    %barrier3A = arith.constant 0 : index
    tpu.barrier barrier_id(%barrier3A)
    %scan3A_15 = arith.constant 0 : i32
    %scan3A_16 = arith.constant 0 : i32
    %scan3A_17 = arith.constant 81 : i32
    %scan3A_18 = arith.addi %scan3A_16, %scan3A_17 : i32
    %scan3A_19 = arith.constant 1 : i32
    scf.for %scan3A_22 = %scan3A_16 to %scan3A_18 step %scan3A_19  : i32 {
      %dma_start3A = arith.constant 0 : i32
      %dma_start3A_23 = tpu.memref_slice %arg6[%scan3A_22, %dma_start3A] : memref<81x128xi32, #tpu.memory_space<vmem>> -> memref<1x128xi32, #tpu.memory_space<vmem>>
      %dma_start3A_24 = tpu.memref_squeeze %dma_start3A_23 : memref<1x128xi32, #tpu.memory_space<vmem>> -> memref<128xi32, #tpu.memory_space<vmem>>
      %dma_start3A_25 = arith.constant 0 : i32
      %dma_start3A_26 = arith.constant 0 : i32
      %dma_start3A_27 = tpu.memref_slice %arg4[%dma_start3A_25, %dma_start3A_26] : memref<10240x128xf32, #tpu.memory_space<hbm>> -> memref<10240x128xf32, #tpu.memory_space<hbm>>
      tpu.enqueue_indirect_dma source(%dma_start3A_27 : memref<10240x128xf32, #tpu.memory_space<hbm>>) target(%arg8 : memref<128x128xf32, #tpu.memory_space<vmem>>) offsets(%dma_start3A_24 : memref<128xi32, #tpu.memory_space<vmem>>) semaphore(%arg10 : memref<!tpu.dma_semaphore, #tpu.memory_space<semaphore_mem>>)
      %dma_wait3A = arith.constant 0 : i32
      %dma_wait3A_28 = tpu.memref_slice %arg6[%scan3A_22, %dma_wait3A] : memref<81x128xi32, #tpu.memory_space<vmem>> -> memref<1x128xi32, #tpu.memory_space<vmem>>
      %dma_wait3A_29 = tpu.memref_squeeze %dma_wait3A_28 : memref<1x128xi32, #tpu.memory_space<vmem>> -> memref<128xi32, #tpu.memory_space<vmem>>
      %dma_wait3A_30 = arith.constant 0 : i32
      %dma_wait3A_31 = arith.constant 0 : i32
      %dma_wait3A_32 = tpu.memref_slice %arg4[%dma_wait3A_30, %dma_wait3A_31] : memref<10240x128xf32, #tpu.memory_space<hbm>> -> memref<10240x128xf32, #tpu.memory_space<hbm>>
      tpu.wait_indirect_dma semaphore(%arg10 : memref<!tpu.dma_semaphore, #tpu.memory_space<semaphore_mem>>) src(%dma_wait3A_32 : memref<10240x128xf32, #tpu.memory_space<hbm>>) dst(%arg8 : memref<128x128xf32, #tpu.memory_space<vmem>>)
      "tpu.region"() ({
        %run_scoped3A = tpu.sem_alloc : memref<!tpu.dma_semaphore, #tpu.memory_space<semaphore_mem>>
        %dma_start3A_33 = arith.constant 0 : i32
        %dma_start3A_34 = tpu.memref_slice %arg7[%scan3A_22, %dma_start3A_33] : memref<81x128xi32, #tpu.memory_space<vmem>> -> memref<1x128xi32, #tpu.memory_space<vmem>>
        %dma_start3A_35 = tpu.memref_squeeze %dma_start3A_34 : memref<1x128xi32, #tpu.memory_space<vmem>> -> memref<128xi32, #tpu.memory_space<vmem>>
        %dma_start3A_36 = arith.constant 0 : i32
        %dma_start3A_37 = arith.constant 0 : i32
        %dma_start3A_38 = tpu.memref_slice %arg9[%dma_start3A_36, %dma_start3A_37] : memref<10240x128xf32, #tpu.memory_space<vmem_shared>> -> memref<10240x128xf32, #tpu.memory_space<vmem_shared>>
        tpu.enqueue_indirect_dma source(%arg8 : memref<128x128xf32, #tpu.memory_space<vmem>>) target(%dma_start3A_38 : memref<10240x128xf32, #tpu.memory_space<vmem_shared>>) offsets(%dma_start3A_35 : memref<128xi32, #tpu.memory_space<vmem>>) semaphore(%run_scoped3A : memref<!tpu.dma_semaphore, #tpu.memory_space<semaphore_mem>>) {add = true}
        %dma_wait3A_39 = arith.constant 0 : i32
        %dma_wait3A_40 = tpu.memref_slice %arg7[%scan3A_22, %dma_wait3A_39] : memref<81x128xi32, #tpu.memory_space<vmem>> -> memref<1x128xi32, #tpu.memory_space<vmem>>
        %dma_wait3A_41 = tpu.memref_squeeze %dma_wait3A_40 : memref<1x128xi32, #tpu.memory_space<vmem>> -> memref<128xi32, #tpu.memory_space<vmem>>
        %dma_wait3A_42 = arith.constant 0 : i32
        %dma_wait3A_43 = arith.constant 0 : i32
        %dma_wait3A_44 = tpu.memref_slice %arg9[%dma_wait3A_42, %dma_wait3A_43] : memref<10240x128xf32, #tpu.memory_space<vmem_shared>> -> memref<10240x128xf32, #tpu.memory_space<vmem_shared>>
        tpu.wait_indirect_dma semaphore(%run_scoped3A : memref<!tpu.dma_semaphore, #tpu.memory_space<semaphore_mem>>) src(%arg8 : memref<128x128xf32, #tpu.memory_space<vmem>>) dst(%dma_wait3A_44 : memref<10240x128xf32, #tpu.memory_space<vmem_shared>>)
        tpu.yield
      }) : () -> ()
    }
    %scan3A_20 = arith.constant 81 : i32
    %barrier3A_21 = arith.constant 0 : index
    tpu.barrier barrier_id(%barrier3A_21)
    "tpu.region"() ({
      %run_scoped3A = tpu.sem_alloc : memref<!tpu.dma_semaphore, #tpu.memory_space<semaphore_mem>>
      %dma_start3A = arith.constant 0 : i32
      %dma_start3A_22 = tpu.memref_slice %arg5[%arg0, %mul3A_8, %dma_start3A] : memref<2x10240x128xf32, #tpu.memory_space<hbm>> -> memref<1x640x128xf32, #tpu.memory_space<hbm>>
      %dma_start3A_23 = tpu.memref_squeeze %dma_start3A_22 : memref<1x640x128xf32, #tpu.memory_space<hbm>> -> memref<640x128xf32, #tpu.memory_space<hbm>>
      %dma_start3A_24 = arith.constant 0 : i32
      %dma_start3A_25 = tpu.memref_slice %arg9[%mul3A_8, %dma_start3A_24] : memref<10240x128xf32, #tpu.memory_space<vmem_shared>> -> memref<640x128xf32, #tpu.memory_space<vmem_shared>>
      tpu.enqueue_dma source(%dma_start3A_25 : memref<640x128xf32, #tpu.memory_space<vmem_shared>>) target(%dma_start3A_23 : memref<640x128xf32, #tpu.memory_space<hbm>>) target_semaphore(%run_scoped3A : memref<!tpu.dma_semaphore, #tpu.memory_space<semaphore_mem>>)
      %dma_wait3A = arith.constant 0 : i32
      %dma_wait3A_26 = tpu.memref_slice %arg5[%arg0, %mul3A_8, %dma_wait3A] : memref<2x10240x128xf32, #tpu.memory_space<hbm>> -> memref<1x640x128xf32, #tpu.memory_space<hbm>>
      %dma_wait3A_27 = tpu.memref_squeeze %dma_wait3A_26 : memref<1x640x128xf32, #tpu.memory_space<hbm>> -> memref<640x128xf32, #tpu.memory_space<hbm>>
      %dma_wait3A_28 = arith.constant 0 : i32
      %dma_wait3A_29 = tpu.memref_slice %arg9[%mul3A_8, %dma_wait3A_28] : memref<10240x128xf32, #tpu.memory_space<vmem_shared>> -> memref<640x128xf32, #tpu.memory_space<vmem_shared>>
      tpu.wait_dma2 semaphore(%run_scoped3A : memref<!tpu.dma_semaphore, #tpu.memory_space<semaphore_mem>>) src(%dma_wait3A_29 : memref<640x128xf32, #tpu.memory_space<vmem_shared>>) dst(%dma_wait3A_27 : memref<640x128xf32, #tpu.memory_space<hbm>>)
      tpu.yield
    }) : () -> ()
    return
  }
}

#map = affine_map<(d0, d1) -> (0, 0)>
module attributes {stable_mosaic.version = 14 : i64} {
  func.func @deg_kernel(%arg0: i32, %arg1: i32, %arg2: memref<32x10368xi32, #tpu.memory_space<hbm>>, %arg3: memref<32x10240xf32, #tpu.memory_space<hbm>>, %arg4: memref<10368xi32, #tpu.memory_space<vmem>>, %arg5: memref<10240xf32, #tpu.memory_space<vmem>>) attributes {dimension_semantics = [#tpu.dimension_semantics<core_parallel>, #tpu.dimension_semantics<subcore_parallel>], iteration_bounds = array<i64: 2, 16>, scalar_prefetch = 0 : i64, scratch_operands = 2 : i64, tpu.core_type = #tpu.core_type<sc_vector_subcore>, window_params = [{transform_indices = #map}, {transform_indices = #map}]} {
    %mul3A = arith.constant 2 : i32
    %mul3A_0 = arith.muli %arg1, %mul3A : i32
    %add3A = arith.addi %mul3A_0, %arg0 : i32
    "tpu.region"() ({
      %run_scoped3A = tpu.sem_alloc : memref<!tpu.dma_semaphore, #tpu.memory_space<semaphore_mem>>
      %dma_start3A = arith.constant 0 : i32
      %dma_start3A_15 = tpu.memref_slice %arg2[%add3A, %dma_start3A] : memref<32x10368xi32, #tpu.memory_space<hbm>> -> memref<1x10368xi32, #tpu.memory_space<hbm>>
      %dma_start3A_16 = tpu.memref_squeeze %dma_start3A_15 : memref<1x10368xi32, #tpu.memory_space<hbm>> -> memref<10368xi32, #tpu.memory_space<hbm>>
      %dma_start3A_17 = arith.constant 0 : i32
      %dma_start3A_18 = tpu.memref_slice %arg2[%add3A, %dma_start3A_17] : memref<32x10368xi32, #tpu.memory_space<hbm>> -> memref<1x10368xi32, #tpu.memory_space<hbm>>
      %dma_start3A_19 = tpu.memref_squeeze %dma_start3A_18 : memref<1x10368xi32, #tpu.memory_space<hbm>> -> memref<10368xi32, #tpu.memory_space<hbm>>
      tpu.enqueue_dma source(%dma_start3A_19 : memref<10368xi32, #tpu.memory_space<hbm>>) target(%arg4 : memref<10368xi32, #tpu.memory_space<vmem>>) target_semaphore(%run_scoped3A : memref<!tpu.dma_semaphore, #tpu.memory_space<semaphore_mem>>)
      %dma_wait3A = arith.constant 0 : i32
      %dma_wait3A_20 = tpu.memref_slice %arg2[%add3A, %dma_wait3A] : memref<32x10368xi32, #tpu.memory_space<hbm>> -> memref<1x10368xi32, #tpu.memory_space<hbm>>
      %dma_wait3A_21 = tpu.memref_squeeze %dma_wait3A_20 : memref<1x10368xi32, #tpu.memory_space<hbm>> -> memref<10368xi32, #tpu.memory_space<hbm>>
      %dma_wait3A_22 = arith.constant 0 : i32
      %dma_wait3A_23 = tpu.memref_slice %arg2[%add3A, %dma_wait3A_22] : memref<32x10368xi32, #tpu.memory_space<hbm>> -> memref<1x10368xi32, #tpu.memory_space<hbm>>
      %dma_wait3A_24 = tpu.memref_squeeze %dma_wait3A_23 : memref<1x10368xi32, #tpu.memory_space<hbm>> -> memref<10368xi32, #tpu.memory_space<hbm>>
      tpu.wait_dma2 semaphore(%run_scoped3A : memref<!tpu.dma_semaphore, #tpu.memory_space<semaphore_mem>>) src(%dma_wait3A_24 : memref<10368xi32, #tpu.memory_space<hbm>>) dst(%arg4 : memref<10368xi32, #tpu.memory_space<vmem>>)
      tpu.yield
    }) : () -> ()
    %broadcast_in_dim3A = arith.constant 0.000000e+00 : f32
    %broadcast_in_dim3A_1 = vector.broadcast %broadcast_in_dim3A : f32 to vector<16xf32>
    %broadcast_in_dim3A_2 = arith.constant 1.000000e+00 : f32
    %broadcast_in_dim3A_3 = vector.broadcast %broadcast_in_dim3A_2 : f32 to vector<16xf32>
    %scan3A = arith.constant 0 : i32
    %scan3A_4 = arith.constant 0 : i32
    %scan3A_5 = arith.constant 640 : i32
    %scan3A_6 = arith.addi %scan3A_4, %scan3A_5 : i32
    %scan3A_7 = arith.constant 1 : i32
    scf.for %scan3A_15 = %scan3A_4 to %scan3A_6 step %scan3A_7  : i32 {
      %mul3A_16 = arith.constant 16 : i32
      %mul3A_17 = arith.muli %scan3A_15, %mul3A_16 : i32
      %swap3A = arith.index_cast %mul3A_17 : i32 to index
      %swap3A_18 = tpu.vector_load %arg5[%swap3A] {strides = array<i32>} : memref<10240xf32, #tpu.memory_space<vmem>>, vector<16xf32>,
      tpu.vector_store %arg5[%swap3A], %broadcast_in_dim3A_1 {strides = array<i32>} : memref<10240xf32, #tpu.memory_space<vmem>>, vector<16xf32>,
    }
    %scan3A_8 = arith.constant 640 : i32
    %scan3A_9 = arith.constant 0 : i32
    %scan3A_10 = arith.constant 0 : i32
    %scan3A_11 = arith.constant 648 : i32
    %scan3A_12 = arith.addi %scan3A_10, %scan3A_11 : i32
    %scan3A_13 = arith.constant 1 : i32
    scf.for %scan3A_15 = %scan3A_10 to %scan3A_12 step %scan3A_13  : i32 {
      %mul3A_16 = arith.constant 16 : i32
      %mul3A_17 = arith.muli %scan3A_15, %mul3A_16 : i32
      %get3A = arith.index_cast %mul3A_17 : i32 to index
      %get3A_18 = tpu.vector_load %arg4[%get3A] {strides = array<i32>} : memref<10368xi32, #tpu.memory_space<vmem>>, vector<16xi32>,
      tpu.vector_store_idx %arg5[%get3A_18], %broadcast_in_dim3A_3 {add = true} : memref<10240xf32, #tpu.memory_space<vmem>>[vector<16xi32>], vector<16xf32>,
    }
    %scan3A_14 = arith.constant 648 : i32
    "tpu.region"() ({
      %run_scoped3A = tpu.sem_alloc : memref<!tpu.dma_semaphore, #tpu.memory_space<semaphore_mem>>
      %dma_start3A = arith.constant 0 : i32
      %dma_start3A_15 = tpu.memref_slice %arg3[%add3A, %dma_start3A] : memref<32x10240xf32, #tpu.memory_space<hbm>> -> memref<1x10240xf32, #tpu.memory_space<hbm>>
      %dma_start3A_16 = tpu.memref_squeeze %dma_start3A_15 : memref<1x10240xf32, #tpu.memory_space<hbm>> -> memref<10240xf32, #tpu.memory_space<hbm>>
      %dma_start3A_17 = arith.constant 0 : i32
      %dma_start3A_18 = tpu.memref_slice %arg3[%add3A, %dma_start3A_17] : memref<32x10240xf32, #tpu.memory_space<hbm>> -> memref<1x10240xf32, #tpu.memory_space<hbm>>
      %dma_start3A_19 = tpu.memref_squeeze %dma_start3A_18 : memref<1x10240xf32, #tpu.memory_space<hbm>> -> memref<10240xf32, #tpu.memory_space<hbm>>
      tpu.enqueue_dma source(%arg5 : memref<10240xf32, #tpu.memory_space<vmem>>) target(%dma_start3A_19 : memref<10240xf32, #tpu.memory_space<hbm>>) target_semaphore(%run_scoped3A : memref<!tpu.dma_semaphore, #tpu.memory_space<semaphore_mem>>)
      %dma_wait3A = arith.constant 0 : i32
      %dma_wait3A_20 = tpu.memref_slice %arg3[%add3A, %dma_wait3A] : memref<32x10240xf32, #tpu.memory_space<hbm>> -> memref<1x10240xf32, #tpu.memory_space<hbm>>
      %dma_wait3A_21 = tpu.memref_squeeze %dma_wait3A_20 : memref<1x10240xf32, #tpu.memory_space<hbm>> -> memref<10240xf32, #tpu.memory_space<hbm>>
      %dma_wait3A_22 = arith.constant 0 : i32
      %dma_wait3A_23 = tpu.memref_slice %arg3[%add3A, %dma_wait3A_22] : memref<32x10240xf32, #tpu.memory_space<hbm>> -> memref<1x10240xf32, #tpu.memory_space<hbm>>
      %dma_wait3A_24 = tpu.memref_squeeze %dma_wait3A_23 : memref<1x10240xf32, #tpu.memory_space<hbm>> -> memref<10240xf32, #tpu.memory_space<hbm>>
      tpu.wait_dma2 semaphore(%run_scoped3A : memref<!tpu.dma_semaphore, #tpu.memory_space<semaphore_mem>>) src(%arg5 : memref<10240xf32, #tpu.memory_space<vmem>>) dst(%dma_wait3A_24 : memref<10240xf32, #tpu.memory_space<hbm>>)
      tpu.yield
    }) : () -> ()
    return
  }
}

module attributes {stable_mosaic.version = 14 : i64} {
  func.func @_h2_body(%arg0: i32, %arg1: memref<256x128xf32, #tpu.memory_space<vmem>>, %arg2: memref<128x128xf32, #tpu.memory_space<vmem>>, %arg3: memref<32x256xf32, #tpu.memory_space<vmem>>, %arg4: memref<256x128xf32, #tpu.memory_space<vmem>>) attributes {dimension_semantics = [#tpu.dimension_semantics<arbitrary>], iteration_bounds = array<i64: 40>, scalar_prefetch = 0 : i64, scratch_operands = 0 : i64, tpu.core_type = #tpu.core_type<tc>, window_params = [{transform_indices = @transform_0, window_bounds = array<i64: 256, 128>}, {pipeline_mode = #tpu.pipeline_mode<synchronous>, transform_indices = @transform_1, window_bounds = array<i64: 128, 128>}, {transform_indices = @transform_2, window_bounds = array<i64: 32, 256>}, {transform_indices = @transform_3, window_bounds = array<i64: 256, 128>}]} {
    %get3A = arith.constant 0 : index
    %get3A_0 = arith.constant 0 : index
    %get3A_1 = vector.load %arg3[%get3A, %get3A_0] : memref<32x256xf32, #tpu.memory_space<vmem>>, vector<32x256xf32>
    %reduce_sum3A = arith.constant dense<0.000000e+00> : vector<256xf32>
    %reduce_sum3A_2 = vector.multi_reduction <add>, %get3A_1, %reduce_sum3A [0] : vector<32x256xf32> to vector<256xf32>
    %max3A = arith.constant 1.000000e+00 : f32
    %max3A_3 = vector.broadcast %max3A : f32 to vector<256xf32>
    %max3A_4 = arith.maximumf %reduce_sum3A_2, %max3A_3 : vector<256xf32>
    %rsqrt3A = math.rsqrt %max3A_4 : vector<256xf32>
    %get3A_5 = arith.constant 0 : index
    %get3A_6 = arith.constant 0 : index
    %get3A_7 = vector.load %arg1[%get3A_5, %get3A_6] : memref<256x128xf32, #tpu.memory_space<vmem>>, vector<256x128xf32>
    %get3A_8 = arith.constant 0 : index
    %get3A_9 = arith.constant 0 : index
    %get3A_10 = vector.load %arg2[%get3A_8, %get3A_9] : memref<128x128xf32, #tpu.memory_space<vmem>>, vector<128x128xf32>
    %dot_general3A = arith.constant dense<0.000000e+00> : vector<256x128xf32>
    %dot_general3A_11 = tpu.matmul %get3A_7, %get3A_10, %dot_general3A {dimension_numbers = #tpu.dot_dimension_numbers<[1], [0], [0], [1], [0, 0, 1, 1], [], []>, transpose_lhs_hint = false} : vector<256x128xf32>, vector<128x128xf32>, vector<256x128xf32> -> vector<256x128xf32>
    %broadcast_in_dim3A = vector.shape_cast %rsqrt3A : vector<256xf32> to vector<256x1xf32>
    %mul3A = vector.broadcast %broadcast_in_dim3A : vector<256x1xf32> to vector<256x128xf32>
    %mul3A_12 = arith.mulf %dot_general3A_11, %mul3A : vector<256x128xf32>
    %swap3A = arith.constant 0 : index
    %swap3A_13 = arith.constant 0 : index
    %swap3A_14 = vector.load %arg4[%swap3A, %swap3A_13] : memref<256x128xf32, #tpu.memory_space<vmem>>, vector<256x128xf32>
    tpu.vector_store %arg4[%swap3A, %swap3A_13], %mul3A_12 {strides = array<i32>} : memref<256x128xf32, #tpu.memory_space<vmem>>, vector<256x128xf32>,
    return
  }
  func.func @transform_0(%arg0: i32) -> (i32, i32) {
    %c0_i32 = arith.constant 0 : i32
    %c0_i32_0 = arith.constant 0 : i32
    return %arg0, %c0_i32 : i32, i32
  }
  func.func @transform_1(%arg0: i32) -> (i32, i32) {
    %c0_i32 = arith.constant 0 : i32
    %c0_i32_0 = arith.constant 0 : i32
    %c0_i32_1 = arith.constant 0 : i32
    return %c0_i32, %c0_i32_0 : i32, i32
  }
  func.func @transform_2(%arg0: i32) -> (i32, i32) {
    %c0_i32 = arith.constant 0 : i32
    %c0_i32_0 = arith.constant 0 : i32
    return %c0_i32, %arg0 : i32, i32
  }
  func.func @transform_3(%arg0: i32) -> (i32, i32) {
    %c0_i32 = arith.constant 0 : i32
    %c0_i32_0 = arith.constant 0 : i32
    return %arg0, %c0_i32 : i32, i32
  }
}

module attributes {stable_mosaic.version = 14 : i64} {
  func.func @_out_body(%arg0: i32, %arg1: memref<256x128xf32, #tpu.memory_space<vmem>>, %arg2: memref<256x128xf32, #tpu.memory_space<vmem>>, %arg3: memref<32x256xf32, #tpu.memory_space<vmem>>, %arg4: memref<1x128xf32, #tpu.memory_space<vmem>>, %arg5: memref<256x128xf32, #tpu.memory_space<vmem>>) attributes {dimension_semantics = [#tpu.dimension_semantics<arbitrary>], iteration_bounds = array<i64: 40>, scalar_prefetch = 0 : i64, scratch_operands = 0 : i64, tpu.core_type = #tpu.core_type<tc>, window_params = [{transform_indices = @transform_0, window_bounds = array<i64: 256, 128>}, {transform_indices = @transform_1, window_bounds = array<i64: 256, 128>}, {transform_indices = @transform_2, window_bounds = array<i64: 32, 256>}, {pipeline_mode = #tpu.pipeline_mode<synchronous>, transform_indices = @transform_3, window_bounds = array<i64: 1, 128>}, {transform_indices = @transform_4, window_bounds = array<i64: 256, 128>}]} {
    %get3A = arith.constant 0 : index
    %get3A_0 = arith.constant 0 : index
    %get3A_1 = vector.load %arg3[%get3A, %get3A_0] : memref<32x256xf32, #tpu.memory_space<vmem>>, vector<32x256xf32>
    %reduce_sum3A = arith.constant dense<0.000000e+00> : vector<256xf32>
    %reduce_sum3A_2 = vector.multi_reduction <add>, %get3A_1, %reduce_sum3A [0] : vector<32x256xf32> to vector<256xf32>
    %max3A = arith.constant 1.000000e+00 : f32
    %max3A_3 = vector.broadcast %max3A : f32 to vector<256xf32>
    %max3A_4 = arith.maximumf %reduce_sum3A_2, %max3A_3 : vector<256xf32>
    %rsqrt3A = math.rsqrt %max3A_4 : vector<256xf32>
    %get3A_5 = arith.constant 0 : index
    %get3A_6 = arith.constant 0 : index
    %get3A_7 = vector.load %arg1[%get3A_5, %get3A_6] : memref<256x128xf32, #tpu.memory_space<vmem>>, vector<256x128xf32>
    %get3A_8 = arith.constant 0 : index
    %get3A_9 = arith.constant 0 : index
    %get3A_10 = vector.load %arg2[%get3A_8, %get3A_9] : memref<256x128xf32, #tpu.memory_space<vmem>>, vector<256x128xf32>
    %add3A = arith.addf %get3A_7, %get3A_10 : vector<256x128xf32>
    %broadcast_in_dim3A = vector.shape_cast %rsqrt3A : vector<256xf32> to vector<256x1xf32>
    %mul3A = vector.broadcast %broadcast_in_dim3A : vector<256x1xf32> to vector<256x128xf32>
    %mul3A_11 = arith.mulf %add3A, %mul3A : vector<256x128xf32>
    %get3A_12 = arith.constant 0 : index
    %get3A_13 = arith.constant 0 : index
    %get3A_14 = vector.load %arg4[%get3A_12, %get3A_13] : memref<1x128xf32, #tpu.memory_space<vmem>>, vector<1x128xf32>
    %add3A_15 = vector.broadcast %get3A_14 : vector<1x128xf32> to vector<256x128xf32>
    %add3A_16 = arith.addf %mul3A_11, %add3A_15 : vector<256x128xf32>
    %max3A_17 = arith.constant 0.000000e+00 : f32
    %max3A_18 = vector.broadcast %max3A_17 : f32 to vector<256x128xf32>
    %max3A_19 = arith.maximumf %add3A_16, %max3A_18 : vector<256x128xf32>
    %swap3A = arith.constant 0 : index
    %swap3A_20 = arith.constant 0 : index
    %swap3A_21 = vector.load %arg5[%swap3A, %swap3A_20] : memref<256x128xf32, #tpu.memory_space<vmem>>, vector<256x128xf32>
    tpu.vector_store %arg5[%swap3A, %swap3A_20], %max3A_19 {strides = array<i32>} : memref<256x128xf32, #tpu.memory_space<vmem>>, vector<256x128xf32>,
    return
  }
  func.func @transform_0(%arg0: i32) -> (i32, i32) {
    %c0_i32 = arith.constant 0 : i32
    %c0_i32_0 = arith.constant 0 : i32
    return %arg0, %c0_i32 : i32, i32
  }
  func.func @transform_1(%arg0: i32) -> (i32, i32) {
    %c0_i32 = arith.constant 0 : i32
    %c0_i32_0 = arith.constant 0 : i32
    return %arg0, %c0_i32 : i32, i32
  }
  func.func @transform_2(%arg0: i32) -> (i32, i32) {
    %c0_i32 = arith.constant 0 : i32
    %c0_i32_0 = arith.constant 0 : i32
    return %c0_i32, %arg0 : i32, i32
  }
  func.func @transform_3(%arg0: i32) -> (i32, i32) {
    %c0_i32 = arith.constant 0 : i32
    %c0_i32_0 = arith.constant 0 : i32
    %c0_i32_1 = arith.constant 0 : i32
    return %c0_i32, %c0_i32_0 : i32, i32
  }
  func.func @transform_4(%arg0: i32) -> (i32, i32) {
    %c0_i32 = arith.constant 0 : i32
    %c0_i32_0 = arith.constant 0 : i32
    return %arg0, %c0_i32 : i32, i32
  }
}

</mosaic_0001>

<sc_bundles>
// kernel: kernel.6.cloned.1.call-start
scs
__scs_entry_jumppad:
0x0: {  	(pc) =	sbr.rel $0x88, $3  }
0x1: {  	(tag) =	ssettag $0x0;
	lr =	simm.s32 $0x1  }
0x2: {  	[smem:$0x3F9D] =	sst lr;
	_ =	strace $0xD0000000  }
0x3: {  	_ = 	snop  }
0x4: {  	_ = 	snop  }
0x5: {  	_ = 	snop  }
0x6: {  	_ = 	snop  }
0x7: {  	_ = 	snop  }
__scs_overlays_trampoline_lowered:
0x8: {  	[smem:$0x3FAC] =	sst s0  }
0x9: {  	[smem:$0x3FAD] =	sst s1  }
0xa: {  	[smem:$0x3FAE] =	sst s2  }
0xb: {  	[smem:$0x3FAF] =	sst s3  }
0xc: {  	[smem:$0x3FB0] =	sst s4  }
0xd: {  	[smem:$0x3FB1] =	sst s5  }
0xe: {  	[smem:$0x3FB2] =	sst s6  }
0xf: {  	[smem:$0x3FB3] =	sst s7  }
0x10: {  	[smem:$0x3FB4] =	sst s8  }
0x11: {  	[smem:$0x3FB5] =	sst s9;
	s0 =	simm.s32 @!p0 $0x0  }
0x12: {  	s1 =	sld [smem:$0x3F9B];
	s0 =	simm.s32 @p0 $0x1  }
0x13: {  	[smem:$0x3FB6] =	sst s0;
	s0 =	simm.s32 @!p1 $0x0  }
0x14: {  	s2 =	sld [smem:$0x3F9A];
	s0 =	simm.s32 @p1 $0x1  }
0x15: {  	[smem:$0x3FB7] =	sst s0;
	s0 =	simm.s32 @!p2 $0x0  }
0x16: {  	s3 =	sld [smem:$0x3FDB];
	s0 =	simm.s32 @p2 $0x1  }
0x17: {  	s4 =	simm.s32 $0x1BF5;
	[smem:$0x3FB9] =	sst s0  }
0x18: {  	s0 =	sld [smem:$0x3F9C];
	_ =	swait.ge [sflag:s4], $0x0  }
0x19: {  	s7 =	sld [smem:$0x3F9D]  }
0x1a: {  	s8 =	sadd.s32 $0xFFFFE003, lr  }
0x1b: {  	s9 =	sadd.s32 $0xFFFFFEF7, lr;
	s5 =	simm.s32 $0xFFFFFFFF;
	p2 =	slt.u32 s8, $0xFFFFF086  }
0x1c: {  	p1 =	slt.u32 s9, $0xF7A;
	s5 =	simm.s32 @!p2 $0x0  }
0x1d: {  	s5 =	simm.s32 @p1 $0x1;
	p0 =	seq.s32 s7, s2  }
0x1e: {  	s7 =	smul.u32 @!p0 $0xF7A, s2;
	p2 =	seq.s32 @!p0 s5, $0x0  }
0x1f: {  	s9 =	smul.u32 $0xF7A, s1;
	s8 =	simm.s32 @!p0 $0x1BF5;
	p2 =	por !p2, p0  }
0x20: {  	[sflag:s8] =	ssyncset.s32 @!p0 $0xFFFFF086;
	s6 =	sadd.s32 @!p0 s3, s7;
	s7 =	simm.s32 @!p0 $0x108  }
0x21: {  	s3 =	sadd.s32 s3, s9;
	s6 =	sadd.s32 @!p0 $0x88, s6;
	s7 =	simm.s32 @p2 $0x1082  }
0x22: {  	[simem:s7], [sflag:s8] =	dma.local @!p0 [hbm:s6], $0xF7A  }
0x23: {  	s9 =	sor.u32 $0xD0000000, s2;
	s6 =	simm.s32 $0x108;
	_ =	swait.ge @!p0 [sflag:s8], $0x0  }
0x24: {  	s3 =	sadd.s32 $0x88, s3;
	s6 =	simm.s32 @!p1 $0x1082;
	[sflag:s4] =	ssyncset.s32 $0xFFFFF086  }
0x25: {  	[simem:s6], [sflag:s4] =	dma.local [hbm:s3], $0xF7A  }
0x26: {  	[smem:$0x3F9D] =	sst s1;
	(tag) =	ssettag s2;
	_ =	strace s9  }
0x27: {  	s1 =	sld [smem:$0x3FAD]  }
0x28: {  	s2 =	sld [smem:$0x3FAE]  }
0x29: {  	s4 =	sld [smem:$0x3FB0]  }
0x2a: {  	p0 =	seq.s32 s5, $0x0;
	s5 =	sld [smem:$0x3FB1]  }
0x2b: {  	s6 =	sld [smem:$0x3FB2]  }
0x2c: {  	s7 =	sld [smem:$0x3FB3]  }
0x2d: {  	s3 =	simm.s32 $0x108;
	s8 =	sld [smem:$0x3FB4]  }
0x2e: {  	s3 =	simm.s32 @!p0 $0x1082;
	s9 =	sld [smem:$0x3FB5]  }
0x2f: {  	lr =	sadd.s32 s0, s3;
	s0 =	sld [smem:$0x3FAC]  }
0x30: {  	s3 =	sld [smem:$0x3FAF]  }
0x31: {  	[smem:$0x3FB8] =	sst s10  }
0x32: {  	s10 =	sld [smem:$0x3FB6];
	_ =	sdelay $0x3  }
0x33: {  	p0 =	seq.s32 s10, $0x1;
	s10 =	sld [smem:$0x3FB8];
	_ =	sdelay $0x3  }
0x34: {  	[smem:$0x3FB8] =	sst s10  }
0x35: {  	s10 =	sld [smem:$0x3FB7];
	_ =	sdelay $0x3  }
0x36: {  	p1 =	seq.s32 s10, $0x1;
	s10 =	sld [smem:$0x3FB8];
	_ =	sdelay $0x3  }
0x37: {  	[smem:$0x3FB8] =	sst s10  }
0x38: {  	s10 =	sld [smem:$0x3FB9]  }
0x39: {  	_ = 	snop;
	(pc) =	sbr.ind lr, $3  }
0x3a: {  	_ = 	snop  }
0x3b: {  	_ = 	snop  }
0x3c: {  	p2 =	seq.s32 s10, $0x1;
	s10 =	sld [smem:$0x3FB8]  }
0x3d: {  	_ =	shalt  }
0x3e: {  	_ =	shalt  }
0x3f: {  	_ =	shalt  }
0x40: {  	_ =	shalt  }
0x41: {  	_ =	shalt  }
0x42: {  	_ =	shalt  }
0x43: {  	_ =	shalt  }
0x44: {  	_ =	shalt  }
0x45: {  	_ =	shalt  }
0x46: {  	_ =	shalt  }
0x47: {  	_ =	shalt  }
0x48: {  	_ =	shalt  }
0x49: {  	_ =	shalt  }
0x4a: {  	_ =	shalt  }
0x4b: {  	_ =	shalt  }
0x4c: {  	_ =	shalt  }
0x4d: {  	_ =	shalt  }
0x4e: {  	_ =	shalt  }
0x4f: {  	_ =	shalt  }
0x50: {  	_ =	shalt  }
0x51: {  	_ =	shalt  }
0x52: {  	_ =	shalt  }
0x53: {  	_ =	shalt  }
0x54: {  	_ =	shalt  }
0x55: {  	_ =	shalt  }
0x56: {  	_ =	shalt  }
0x57: {  	_ =	shalt  }
0x58: {  	_ =	shalt  }
0x59: {  	_ =	shalt  }
0x5a: {  	_ =	shalt  }
0x5b: {  	_ =	shalt  }
0x5c: {  	_ =	shalt  }
0x5d: {  	_ =	shalt  }
0x5e: {  	_ =	shalt  }
0x5f: {  	_ =	shalt  }
0x60: {  	_ =	shalt  }
0x61: {  	_ =	shalt  }
0x62: {  	_ =	shalt  }
0x63: {  	_ =	shalt  }
0x64: {  	_ =	shalt  }
0x65: {  	_ =	shalt  }
0x66: {  	_ =	shalt  }
0x67: {  	_ =	shalt  }
0x68: {  	_ =	shalt  }
0x69: {  	_ =	shalt  }
0x6a: {  	_ =	shalt  }
0x6b: {  	_ =	shalt  }
0x6c: {  	_ =	shalt  }
0x6d: {  	_ =	shalt  }
0x6e: {  	_ =	shalt  }
0x6f: {  	_ =	shalt  }
0x70: {  	_ =	shalt  }
0x71: {  	_ =	shalt  }
0x72: {  	_ =	shalt  }
0x73: {  	_ =	shalt  }
0x74: {  	_ =	shalt  }
0x75: {  	_ =	shalt  }
0x76: {  	_ =	shalt  }
0x77: {  	_ =	shalt  }
0x78: {  	_ =	shalt  }
0x79: {  	_ =	shalt  }
0x7a: {  	_ =	shalt  }
0x7b: {  	_ =	shalt  }
0x7c: {  	_ =	shalt  }
0x7d: {  	_ =	shalt  }
0x7e: {  	_ =	shalt  }
0x7f: {  	_ =	shalt  }
0x80: {  	_ =	shalt  }
0x81: {  	_ =	shalt  }
0x82: {  	_ =	shalt  }
0x83: {  	_ =	shalt  }
0x84: {  	_ =	shalt  }
0x85: {  	_ =	shalt  }
0x86: {  	_ =	shalt  }
0x87: {  	_ =	shalt  }
.Lfunc_end0:
.L_simem_size_0:
called_computation_lowered:
.L_overlay_start_0:
0x88: {  	s2 =	sld [smem:$0x3FD9]  }
0x89: {  	s3 =	sld [smem:$0x3FFE];
	_ =	sdelay $0x1  }
0x8a: {  	s1 =	srdreg.scid  }
0x8b: {  	s0 =	sand.u32 $0x1, s1  }
0x8c: {  	s16 =	sshll.u32 s0, $0xA;
	s2 =	sadd.s32 s3, s2  }
0x8d: {  	s2 =	sadd.s32 s2, s16  }
0x8e: {  	[smem:$0x3FC4] =	sst s2  }
0x8f: {  	_ = 	snop  }
0x90: {  	(tm) =	ssettm $0x1  }
0x91: {  	s17 =	sld [smem:$0x3FFB];
	_ =	sdelay $0x3  }
0x92: {  	_ =	strace s17  }
0x93: {  	s2 =	sld [smem:$0x3FFC];
	_ =	sdelay $0x3  }
0x94: {  	_ =	strace s2  }
0x95: {  	s2 =	sld [smem:$0x3FFD];
	_ =	sdelay $0x3  }
0x96: {  	_ =	strace s2  }
0x97: {  	_ =	strace $0x8FFFFFFF  }
0x98: {  	s18 =	sld [smem:$0x3FDB];
	_ =	sdelay $0x1  }
0x99: {  	s19 =	simm.s32 $_scs_section_size  }
0x9a: {  	s4 =	simm.s32 $_size__tile_overlayer_lowered;
	s5 =	simm.s32 $_tile_overlayer_lowered  }
0x9b: {  	s22 =	simm.s32 $0x1BFF;
	s21 =	sshll.u32 s5, $0x1;
	s2 =	sadd.s32 s19, s18  }
0x9c: {  	s6 =	simm.s32 $0x0;
	s20 =	sshll.u32 s4, $0x1;
	s4 =	sadd.s32 s21, s2  }
0x9d: {  	[timem:s6], [sflag:s22] =	dma.local [hbm:s4], s20  }
0x9e: {  	_ =	swait.ge [sflag:s22], s20  }
0x9f: {  	s3 =	ssub.s32 $0x0, s20;
	[sflag:s22] =	ssyncset.done $0x0  }
0xa0: {  	[sflag:s22] =	ssyncadd.s32 s3;
	_ =	sdelay $0x1  }
0xa1: {  	s23 =	simm.s32 $0x1B8B  }
0xa2: {  	_ =	swait.ge [sflag:s23], $0x1  }
0xa3: {  	[sflag:s23] =	ssyncset.done $0x0  }
0xa4: {  	s25 =	simm.s32 $0x1B8E;
	s24 =	sld [smem:$0x3FFE];
	[sflag:s23] =	ssyncadd.s32 $0xFFFFFFFF  }
0xa5: {  	s26 =	simm.s32 $execute0_lowered;
	[smem:$0x3FD2] =	sst s25  }
0xa6: {  	s4 =	sshll.u32 s26, $0x1;
	_ =	strace $0x80000046;
	[dreg:$0x1] =	wrdreg $0xFFFFFFFF  }
0xa7: {  	s28 =	simm.s32 $_size_execute0_lowered;
	s2 =	sadd.s32 s2, s4;
	[dreg:$0x0] =	wrdreg $0x0  }
0xa8: {  	s4 =	sshll.u32 s28, $0x1;
	[dreg:$0x2] =	wrdreg s2  }
0xa9: {  	[dreg:$0x3] =	wrdreg s4  }
0xaa: {  	[dreg:$0x4] =	wrdreg $0xC0  }
0xab: {  	_ =	task [dreg:s6], $0x5FFFF  }
0xac: {  	[dreg:$0x1] =	wrdreg $0xFFFFFFFF  }
0xad: {  	[dreg:$0x0] =	wrdreg $0x60  }
0xae: {  	[dreg:$0x2] =	wrdreg s24  }
0xaf: {  	[dreg:$0x3] =	wrdreg $0x9  }
0xb0: {  	_ =	task.clear_ibuf [dreg:s6], $0x4FFFF;
	_ =	strace $0x90000046  }
0xb1: {  	s29 =	simm.s32 $0x9;
	_ =	strace $0x80000048  }
0xb2: {  	_ =	swait.ge [sflag:s29], $0x1  }
0xb3: {  	[sflag:s29] =	ssyncadd.s32 $0xFFFFFFFF  }
0xb4: {  	_ =	strace $0x90000048  }
0xb5: {  	_ =	sfence  }
0xb6: {  	s30 =	sld [smem:$0x0];
	_ =	sdelay $0x2  }
0xb7: {  	s31 =	sshll.u32 s1, $0xD;
	s1 =	sshrl.u32 s1, $0x2  }
0xb8: {  	s3 =	sand.u32 $0x4000, s31;
	s1 =	sadd.s32 s1, s30  }
0xb9: {  	s0 =	sor.u32 s3, s0;
	s1 =	sshll.u32 s1, $0x11  }
0xba: {  	s0 =	sor.u32 s1, s0  }
0xbb: {  	s0 =	sadd.s32 $0x8F2B, s0  }
0xbc: {  	[sflag:s0] =	ssyncadd.remote.s32 $0x1  }
0xbd: {  	_ =	sfence.sel $0xFFFF  }
0xbe: {  	[dreg:$0x0] =	wrdreg $0xFFFFFFFF;
	(pc) =	sbr.abs _section_cstart, $3  }
0xbf: {  	[dreg:$0x1] =	wrdreg $0xFFFFFFFF  }
0xc0: {  	_ =	task.clear_ibuf [dreg:s6], $0x2FFFF;
	_ =	strace $0x9FFFFFFF  }
0xc1: {  	(tm) =	ssettm $0x7FFFFFFF  }
tec
execute0_lowered:
.L_overlay_start_1:
0x0: {  	(tag) =	ssettag $0x1  }
0x1: {  	s3 =	rddreg [dreg:$0x0]  }
0x2: {  	s0 =	rddreg [dreg:$0x1]  }
0x3: {  	s1 =	stileid.u32;
	s2 =	simm.s32 $0x0;
	s4 =	srdreg.scid  }
0x4: {  	s9 =	simm.s32 $0x2880;
	s10 =	simm.s32 $0x0;
	s5 =	sshrl.u32 s1, $0x2  }
0x5: {  	s4 =	sand.u32 $0x1, s4;
	s6 =	sshll.u32 s1, $0x8;
	[smem:$0x7FF] =	sst s2  }
0x6: {  	s7 =	smul.u32 $0x14400, s5;
	s8 =	sshll.u32 s4, $0x7;
	s6 =	sand.u32 $0x300, s6  }
0x7: {  	s5 =	smul.u32 $0x14000, s5;
	s4 =	ssub.s32 $0x2, s4;
	s6 =	sor.u32 s8, s6  }
0x8: {  	_ =	strace $0x80000047;
	s30 =	sshrl.u32 s4, $0x1;
	s7 =	sor.u32 s7, s6  }
0x9: {  	s8 =	simm.s32 $0x1;
	s5 =	sor.u32 s5, s6;
	s29 =	sshrl.u32 s7, $0x3  }
0xa: {  	s31 =	ssub.s32 s4, s30;
	s5 =	sshrl.u32 s5, $0x3;
	s6 =	sadd.s32 s29, s3  }
0xb: {  	s7 =	simm.s32 $0x400;
	s5 =	sadd.s32 s5, s3;
	s3 =	sadd.s32 $0x1200, s6  }
0xc: {  	v0 =	vimm.f32 $0.0e+00;
	v1 =	vimm.f32 $1.000000000e+00;
	s4 =	sadd.s32 $0xB400, s5;
	s5 =	smax.u32 s31, $0x1;
	s6 =	simm.s32 $0x80  }
.LBB2_1:
0xd: {  	[tilespmem:s2], [sflag:$0x1] =	stream.strided.gather [hbm4b:s3+s6], $0x2880, s7, s6, $0x38;
	[tilespmem:$0x5080] =	vst v63  }
0xe: {  	_ =	swait.ge [sflag:s8], $0x2880  }
0xf: {  	[sflag:s8] =	ssyncset.done $0x0  }
0x10: {  	s11 =	simm.s32 $0x0;
	[sflag:s8] =	ssyncadd.s32 $0xFFFFD780  }
.LBB2_2:
0x11: {  	p0 =	sne.s32 s11, $0x9FC0  }
.Ltmp0:
0x12: {  	_ = 	snop;
	(pc) =	sbr.rel @p0 .LBB2_2-.Ltmp0, $3  }
0x13: {  	_ =	sdelay $0x1  }
0x14: {  	s12 =	sshra.s32 s11, $0x2  }
0x15: {  	s11 =	sadd.s32 $0x40, s11;
	[tilespmem:s12+$0x2880] =	vst v0  }
0x16: {  	s12 =	simm.s32 $0x0;
	s11 =	simm.s32 $0x40  }
.LBB2_4:
0x17: {  	p0 =	sne.s32 s11, $0xA1C0;
	v2 =	vld [tilespmem:s12+$0x0];
	_ =	sdelay $0x3  }
.Ltmp1:
0x18: {  	(pc) =	sbr.rel @p0 .LBB2_4-.Ltmp1, $2  }
0x19: {  	_ =	sdelay $0x2  }
0x1a: {  	s12 =	sshra.s32 s11, $0x2;
	s11 =	sadd.s32 $0x40, s11;
	[tilespmem:v2+s9+$0x0] =	vst.idx.add.f32.msk $0xffff, v1  }
0x1b: {  	v2 =	vld [tilespmem:s12+$0x0];
	_ =	sdelay $0x5  }
0x1c: {  	s10 =	sadd.s32 $0x1, s10  }
0x1d: {  	p0 =	sne.s32 s10, s5  }
.Ltmp2:
0x1e: {  	[tilespmem:v2+s9+$0x0] =	vst.idx.add.f32.msk $0xffff, v1;
	(pc) =	sbr.rel @p0 .LBB2_1-.Ltmp2, $4  }
0x1f: {  	[hbm4b:s4+s6] =	stream.strided.scatter [tilespmem:s9], [sflag:$0x1], $0x2800, s7, s6, $0x38;
	[tilespmem:$0x5080] =	vst v63  }
0x20: {  	_ =	swait.ge [sflag:s8], $0x2800  }
0x21: {  	[sflag:s8] =	ssyncset.done $0x0  }
0x22: {  	[sflag:s8] =	ssyncadd.s32 $0xFFFFD800  }
0x23: {  	_ =	sfence.sel $0x180000  }
0x24: {  	[bflag:$0x0] =	sbarrier.arrive $0xFFFF  }
0x25: {  	p0 =	sne.s32 s1, $0x0;
	_ =	strace $0x90000047  }
0x26: {  	s0 =	sadd.s32 @!p0 $0x100000, s0;
	[bflag:$0x2] =	sbarrier.arrive $0xFFFF  }
0x27: {  	[sflag:s0] =	ssyncadd.tile.s32 @!p0 $0x1;
	_ =	shalt  }
.Lfunc_end2:
_tile_overlayer_lowered:
.L_overlay_start_2:
0x28: {  	(tag) =	ssettag $0x2  }
0x29: {  	s0 =	rddreg [dreg:$0x0];
	s2 =	stileid.u32  }
0x2a: {  	s1 =	rddreg [dreg:$0x1];
	p0 =	sne.s32 s2, $0x0  }
0x2b: {  	s3 =	rddreg [dreg:$0x2];
	[bflag:$0x3] =	sbarrier.arrive $0xFFFF;
	s2 =	simm.s32 @!p0 $0x1C01  }
0x2c: {  	[timem:s3], [sflag:s2] =	dma.local @!p0 [hbm:s0], s1  }
0x2d: {  	s0 =	simm.s32 @!p0 $0x1  }
0x2e: {  	_ =	swait.ge @!p0 [sflag:s0], s1  }
0x2f: {  	s1 =	ssub.s32 @!p0 $0x0, s1;
	[sflag:s0] =	ssyncset.done @!p0 $0x0  }
0x30: {  	[sflag:s0] =	ssyncadd.s32 @!p0 s1  }
0x31: {  	[bflag:$0x3] =	sbarrier.arrive $0xFFFF  }
0x32: {  	_ =	shalt  }

// kernel: kernel.9.cloned.1.call-start
scs
__scs_entry_jumppad:
0x0: {  	(pc) =	sbr.rel $0x88, $3  }
0x1: {  	(tag) =	ssettag $0x0;
	lr =	simm.s32 $0x1  }
0x2: {  	[smem:$0x3F9D] =	sst lr;
	_ =	strace $0xD0000000  }
0x3: {  	_ = 	snop  }
0x4: {  	_ = 	snop  }
0x5: {  	_ = 	snop  }
0x6: {  	_ = 	snop  }
0x7: {  	_ = 	snop  }
__scs_overlays_trampoline_lowered:
0x8: {  	[smem:$0x3FAC] =	sst s0  }
0x9: {  	[smem:$0x3FAD] =	sst s1  }
0xa: {  	[smem:$0x3FAE] =	sst s2  }
0xb: {  	[smem:$0x3FAF] =	sst s3  }
0xc: {  	[smem:$0x3FB0] =	sst s4  }
0xd: {  	[smem:$0x3FB1] =	sst s5  }
0xe: {  	[smem:$0x3FB2] =	sst s6  }
0xf: {  	[smem:$0x3FB3] =	sst s7  }
0x10: {  	[smem:$0x3FB4] =	sst s8  }
0x11: {  	[smem:$0x3FB5] =	sst s9;
	s0 =	simm.s32 @!p0 $0x0  }
0x12: {  	s1 =	sld [smem:$0x3F9B];
	s0 =	simm.s32 @p0 $0x1  }
0x13: {  	[smem:$0x3FB6] =	sst s0;
	s0 =	simm.s32 @!p1 $0x0  }
0x14: {  	s2 =	sld [smem:$0x3F9A];
	s0 =	simm.s32 @p1 $0x1  }
0x15: {  	[smem:$0x3FB7] =	sst s0;
	s0 =	simm.s32 @!p2 $0x0  }
0x16: {  	s3 =	sld [smem:$0x3FDB];
	s0 =	simm.s32 @p2 $0x1  }
0x17: {  	s4 =	simm.s32 $0x1BF5;
	[smem:$0x3FB9] =	sst s0  }
0x18: {  	s0 =	sld [smem:$0x3F9C];
	_ =	swait.ge [sflag:s4], $0x0  }
0x19: {  	s7 =	sld [smem:$0x3F9D]  }
0x1a: {  	s8 =	sadd.s32 $0xFFFFE003, lr  }
0x1b: {  	s9 =	sadd.s32 $0xFFFFFEF7, lr;
	s5 =	simm.s32 $0xFFFFFFFF;
	p2 =	slt.u32 s8, $0xFFFFF086  }
0x1c: {  	p1 =	slt.u32 s9, $0xF7A;
	s5 =	simm.s32 @!p2 $0x0  }
0x1d: {  	s5 =	simm.s32 @p1 $0x1;
	p0 =	seq.s32 s7, s2  }
0x1e: {  	s7 =	smul.u32 @!p0 $0xF7A, s2;
	p2 =	seq.s32 @!p0 s5, $0x0  }
0x1f: {  	s9 =	smul.u32 $0xF7A, s1;
	s8 =	simm.s32 @!p0 $0x1BF5;
	p2 =	por !p2, p0  }
0x20: {  	[sflag:s8] =	ssyncset.s32 @!p0 $0xFFFFF086;
	s6 =	sadd.s32 @!p0 s3, s7;
	s7 =	simm.s32 @!p0 $0x108  }
0x21: {  	s3 =	sadd.s32 s3, s9;
	s6 =	sadd.s32 @!p0 $0x88, s6;
	s7 =	simm.s32 @p2 $0x1082  }
0x22: {  	[simem:s7], [sflag:s8] =	dma.local @!p0 [hbm:s6], $0xF7A  }
0x23: {  	s9 =	sor.u32 $0xD0000000, s2;
	s6 =	simm.s32 $0x108;
	_ =	swait.ge @!p0 [sflag:s8], $0x0  }
0x24: {  	s3 =	sadd.s32 $0x88, s3;
	s6 =	simm.s32 @!p1 $0x1082;
	[sflag:s4] =	ssyncset.s32 $0xFFFFF086  }
0x25: {  	[simem:s6], [sflag:s4] =	dma.local [hbm:s3], $0xF7A  }
0x26: {  	[smem:$0x3F9D] =	sst s1;
	(tag) =	ssettag s2;
	_ =	strace s9  }
0x27: {  	s1 =	sld [smem:$0x3FAD]  }
0x28: {  	s2 =	sld [smem:$0x3FAE]  }
0x29: {  	s4 =	sld [smem:$0x3FB0]  }
0x2a: {  	p0 =	seq.s32 s5, $0x0;
	s5 =	sld [smem:$0x3FB1]  }
0x2b: {  	s6 =	sld [smem:$0x3FB2]  }
0x2c: {  	s7 =	sld [smem:$0x3FB3]  }
0x2d: {  	s3 =	simm.s32 $0x108;
	s8 =	sld [smem:$0x3FB4]  }
0x2e: {  	s3 =	simm.s32 @!p0 $0x1082;
	s9 =	sld [smem:$0x3FB5]  }
0x2f: {  	lr =	sadd.s32 s0, s3;
	s0 =	sld [smem:$0x3FAC]  }
0x30: {  	s3 =	sld [smem:$0x3FAF]  }
0x31: {  	[smem:$0x3FB8] =	sst s10  }
0x32: {  	s10 =	sld [smem:$0x3FB6];
	_ =	sdelay $0x3  }
0x33: {  	p0 =	seq.s32 s10, $0x1;
	s10 =	sld [smem:$0x3FB8];
	_ =	sdelay $0x3  }
0x34: {  	[smem:$0x3FB8] =	sst s10  }
0x35: {  	s10 =	sld [smem:$0x3FB7];
	_ =	sdelay $0x3  }
0x36: {  	p1 =	seq.s32 s10, $0x1;
	s10 =	sld [smem:$0x3FB8];
	_ =	sdelay $0x3  }
0x37: {  	[smem:$0x3FB8] =	sst s10  }
0x38: {  	s10 =	sld [smem:$0x3FB9]  }
0x39: {  	_ = 	snop;
	(pc) =	sbr.ind lr, $3  }
0x3a: {  	_ = 	snop  }
0x3b: {  	_ = 	snop  }
0x3c: {  	p2 =	seq.s32 s10, $0x1;
	s10 =	sld [smem:$0x3FB8]  }
0x3d: {  	_ =	shalt  }
0x3e: {  	_ =	shalt  }
0x3f: {  	_ =	shalt  }
0x40: {  	_ =	shalt  }
0x41: {  	_ =	shalt  }
0x42: {  	_ =	shalt  }
0x43: {  	_ =	shalt  }
0x44: {  	_ =	shalt  }
0x45: {  	_ =	shalt  }
0x46: {  	_ =	shalt  }
0x47: {  	_ =	shalt  }
0x48: {  	_ =	shalt  }
0x49: {  	_ =	shalt  }
0x4a: {  	_ =	shalt  }
0x4b: {  	_ =	shalt  }
0x4c: {  	_ =	shalt  }
0x4d: {  	_ =	shalt  }
0x4e: {  	_ =	shalt  }
0x4f: {  	_ =	shalt  }
0x50: {  	_ =	shalt  }
0x51: {  	_ =	shalt  }
0x52: {  	_ =	shalt  }
0x53: {  	_ =	shalt  }
0x54: {  	_ =	shalt  }
0x55: {  	_ =	shalt  }
0x56: {  	_ =	shalt  }
0x57: {  	_ =	shalt  }
0x58: {  	_ =	shalt  }
0x59: {  	_ =	shalt  }
0x5a: {  	_ =	shalt  }
0x5b: {  	_ =	shalt  }
0x5c: {  	_ =	shalt  }
0x5d: {  	_ =	shalt  }
0x5e: {  	_ =	shalt  }
0x5f: {  	_ =	shalt  }
0x60: {  	_ =	shalt  }
0x61: {  	_ =	shalt  }
0x62: {  	_ =	shalt  }
0x63: {  	_ =	shalt  }
0x64: {  	_ =	shalt  }
0x65: {  	_ =	shalt  }
0x66: {  	_ =	shalt  }
0x67: {  	_ =	shalt  }
0x68: {  	_ =	shalt  }
0x69: {  	_ =	shalt  }
0x6a: {  	_ =	shalt  }
0x6b: {  	_ =	shalt  }
0x6c: {  	_ =	shalt  }
0x6d: {  	_ =	shalt  }
0x6e: {  	_ =	shalt  }
0x6f: {  	_ =	shalt  }
0x70: {  	_ =	shalt  }
0x71: {  	_ =	shalt  }
0x72: {  	_ =	shalt  }
0x73: {  	_ =	shalt  }
0x74: {  	_ =	shalt  }
0x75: {  	_ =	shalt  }
0x76: {  	_ =	shalt  }
0x77: {  	_ =	shalt  }
0x78: {  	_ =	shalt  }
0x79: {  	_ =	shalt  }
0x7a: {  	_ =	shalt  }
0x7b: {  	_ =	shalt  }
0x7c: {  	_ =	shalt  }
0x7d: {  	_ =	shalt  }
0x7e: {  	_ =	shalt  }
0x7f: {  	_ =	shalt  }
0x80: {  	_ =	shalt  }
0x81: {  	_ =	shalt  }
0x82: {  	_ =	shalt  }
0x83: {  	_ =	shalt  }
0x84: {  	_ =	shalt  }
0x85: {  	_ =	shalt  }
0x86: {  	_ =	shalt  }
0x87: {  	_ =	shalt  }
.Lfunc_end0:
.L_simem_size_0:
called_computation.1_lowered:
.L_overlay_start_0:
0x88: {  	s2 =	sld [smem:$0x3FD9]  }
0x89: {  	s3 =	sld [smem:$0x3FFE];
	_ =	sdelay $0x1  }
0x8a: {  	s1 =	srdreg.scid  }
0x8b: {  	s0 =	sand.u32 $0x1, s1  }
0x8c: {  	s17 =	sshll.u32 s0, $0xA;
	s2 =	sadd.s32 s3, s2  }
0x8d: {  	s2 =	sadd.s32 s2, s17  }
0x8e: {  	[smem:$0x3FC4] =	sst s2  }
0x8f: {  	_ = 	snop  }
0x90: {  	s2 =	sld [smem:$0x3FD0];
	(tm) =	ssettm $0x1  }
0x91: {  	s18 =	sld [smem:$0x3FFB];
	_ =	sdelay $0x3  }
0x92: {  	_ =	strace s18  }
0x93: {  	s3 =	sld [smem:$0x3FFC];
	_ =	sdelay $0x3  }
0x94: {  	_ =	strace s3  }
0x95: {  	s3 =	sld [smem:$0x3FFD];
	_ =	sdelay $0x3  }
0x96: {  	_ =	strace s3  }
0x97: {  	_ =	strace $0x8FFFFFFF  }
0x98: {  	s19 =	sld [smem:$0x3FDB];
	_ =	sdelay $0x1  }
0x99: {  	s4 =	simm.s32 $_scs_section_size  }
0x9a: {  	s5 =	simm.s32 $_size__tile_overlayer_lowered;
	s6 =	simm.s32 $_tile_overlayer_lowered  }
0x9b: {  	s22 =	simm.s32 $0x1BFF;
	s21 =	sshll.u32 s6, $0x1;
	s3 =	sadd.s32 s4, s19  }
0x9c: {  	s7 =	simm.s32 $0x0;
	s20 =	sshll.u32 s5, $0x1;
	s5 =	sadd.s32 s21, s3  }
0x9d: {  	[timem:s7], [sflag:s22] =	dma.local [hbm:s5], s20  }
0x9e: {  	_ =	swait.ge [sflag:s22], s20  }
0x9f: {  	s4 =	ssub.s32 $0x0, s20;
	[sflag:s22] =	ssyncset.done $0x0  }
0xa0: {  	[sflag:s22] =	ssyncadd.s32 s4;
	_ =	sdelay $0x1  }
0xa1: {  	s23 =	simm.s32 $0x1B8B  }
0xa2: {  	_ =	swait.ge [sflag:s23], $0x1  }
0xa3: {  	[sflag:s23] =	ssyncset.done $0x0  }
0xa4: {  	s25 =	simm.s32 $0x1B8E;
	s24 =	sld [smem:$0x3FFE];
	[sflag:s23] =	ssyncadd.s32 $0xFFFFFFFF  }
0xa5: {  	s26 =	simm.s32 $execute0_lowered;
	[smem:$0x3FD2] =	sst s25  }
0xa6: {  	s5 =	sshll.u32 s26, $0x1;
	_ =	strace $0x80000049;
	[dreg:$0x1] =	wrdreg $0xFFFFFFFF  }
0xa7: {  	s28 =	simm.s32 $_size_execute0_lowered;
	s3 =	sadd.s32 s3, s5;
	[dreg:$0x0] =	wrdreg $0x0  }
0xa8: {  	s5 =	sshll.u32 s28, $0x1;
	[dreg:$0x2] =	wrdreg s3  }
0xa9: {  	[dreg:$0x3] =	wrdreg s5  }
0xaa: {  	[dreg:$0x4] =	wrdreg $0xC0  }
0xab: {  	_ =	task [dreg:s7], $0x5FFFF  }
0xac: {  	[dreg:$0x1] =	wrdreg $0xFFFFFFFF  }
0xad: {  	[dreg:$0x0] =	wrdreg $0x60  }
0xae: {  	[dreg:$0x2] =	wrdreg s2  }
0xaf: {  	[dreg:$0x3] =	wrdreg s24  }
0xb0: {  	[dreg:$0x4] =	wrdreg $0x98000  }
0xb1: {  	[dreg:$0x5] =	wrdreg $0x9  }
0xb2: {  	_ =	task.clear_ibuf [dreg:s7], $0x6FFFF;
	_ =	strace $0x90000049  }
0xb3: {  	s29 =	simm.s32 $0x9;
	_ =	strace $0x8000004B  }
0xb4: {  	_ =	swait.ge [sflag:s29], $0x1  }
0xb5: {  	[sflag:s29] =	ssyncadd.s32 $0xFFFFFFFF  }
0xb6: {  	_ =	strace $0x9000004B  }
0xb7: {  	_ =	sfence  }
0xb8: {  	s30 =	sld [smem:$0x0];
	_ =	sdelay $0x2  }
0xb9: {  	s31 =	sshll.u32 s1, $0xD;
	s1 =	sshrl.u32 s1, $0x2  }
0xba: {  	s3 =	sand.u32 $0x4000, s31;
	s1 =	sadd.s32 s1, s30  }
0xbb: {  	s0 =	sor.u32 s3, s0;
	s1 =	sshll.u32 s1, $0x11  }
0xbc: {  	s0 =	sor.u32 s1, s0  }
0xbd: {  	s0 =	sadd.s32 $0x8F2B, s0  }
0xbe: {  	[sflag:s0] =	ssyncadd.remote.s32 $0x1  }
0xbf: {  	_ =	sfence.sel $0xFFFF  }
0xc0: {  	[dreg:$0x0] =	wrdreg $0xFFFFFFFF;
	(pc) =	sbr.abs _section_cstart, $3  }
0xc1: {  	[dreg:$0x1] =	wrdreg $0xFFFFFFFF  }
0xc2: {  	_ =	task.clear_ibuf [dreg:s7], $0x2FFFF;
	_ =	strace $0x9FFFFFFF  }
0xc3: {  	(tm) =	ssettm $0x7FFFFFFF  }
tec
execute0_lowered:
.L_overlay_start_1:
0x0: {  	(tag) =	ssettag $0x1  }
0x1: {  	s1 =	srdreg.scid;
	s5 =	rddreg [dreg:$0x0]  }
0x2: {  	s0 =	stileid.u32;
	s6 =	rddreg [dreg:$0x1]  }
0x3: {  	s2 =	rddreg [dreg:$0x2];
	s3 =	simm.s32 $0x0;
	s14 =	simm.s32 $0x2  }
0x4: {  	s15 =	simm.s32 $0x2C00;
	s16 =	simm.s32 $0x5800;
	s17 =	simm.s32 $0x80  }
0x5: {  	s18 =	simm.s32 $0x1;
	s21 =	simm.s32 $0x0;
	s4 =	sand.u32 $0x1, s1  }
0x6: {  	s30 =	sshll.u32 s0, $0x1;
	[smem:$0x7FF] =	sst s3;
	s9 =	smul.u32 $0x14000, s0  }
0x7: {  	s11 =	smul.u32 $0x50000, s0;
	s19 =	sshll.u32 s0, $0x6;
	s1 =	sor.u32 s4, s30  }
0x8: {  	s8 =	smul.u32 $0x140000, s4;
	s31 =	ssub.s32 $0x2, s4;
	s4 =	sadd.s32 $0x20400, s6  }
0x9: {  	s19 =	sor.u32 $0x1C02, s19;
	s7 =	smul.u32 $0x580, s1;
	s1 =	rddreg [dreg:$0x3]  }
0xa: {  	_ =	strace $0x8000004A;
	s12 =	sshrl.u32 s31, $0x1;
	s11 =	sshrl.u32 s11, $0x2  }
0xb: {  	s8 =	sadd.s32 s9, s8;
	s9 =	ssub.s32 s31, s12;
	s10 =	sadd.s32 s7, s6  }
0xc: {  	s8 =	sshrl.u32 s8, $0x3;
	s5 =	sadd.s32 s5, s7;
	s7 =	sadd.s32 s11, s2  }
0xd: {  	s9 =	smax.u32 s9, $0x1;
	s8 =	sadd.s32 s8, s6;
	s6 =	sadd.s32 $0x15400, s10  }
0xe: {  	s10 =	sadd.s32 $0x4000, s7;
	s11 =	sadd.s32 $0x8000, s7;
	s12 =	sadd.s32 $0xC000, s7  }
0xf: {  	v0 =	vimm.f32 $0.0e+00;
	s13 =	sadd.s32 $0x10000, s7;
	s20 =	sshrl.u32 s7, $0x3;
	s8 =	sadd.s32 $0x48400, s8  }
.LBB2_1:
0x10: {  	[tilespmem:s3], [sflag:$0x2] =	stream.linear.gather [hbm4b:s5+s3], $0x2880, $0x38;
	[tilespmem:$0x1D800] =	vst v63  }
0x11: {  	_ =	swait.ge [sflag:s14], $0x2880  }
0x12: {  	[sflag:s14] =	ssyncset.done $0x0  }
0x13: {  	[sflag:s14] =	ssyncadd.s32 $0xFFFFD780  }
0x14: {  	[tilespmem:s15], [sflag:$0x2] =	stream.linear.gather [hbm4b:s6+s3], $0x2880, $0x38;
	[tilespmem:$0x1D800] =	vst v63  }
0x15: {  	s22 =	sand.u32 $0xFE00, s3;
	s23 =	sand.u32 $0x70, s3;
	_ =	swait.ge [sflag:s14], $0x2880  }
0x16: {  	s24 =	sshrl.u32 s22, $0x2;
	s22 =	simm.s32 $0x40;
	[sflag:s14] =	ssyncset.done $0x0  }
0x17: {  	s24 =	sor.u32 s23, s24;
	s23 =	simm.s32 $0x0;
	[sflag:s14] =	ssyncadd.s32 $0xFFFFD780  }
.LBB2_2:
0x18: {  	p0 =	sne.s32 s22, $0xFFC0  }
0x19: {  	[tilespmem:s24+$0x5800] =	vst v0;
	s23 =	sadd.s32 $0x10, s23;
	s24 =	smov.u32 s22;
	s22 =	sadd.s32 $0x40, s22  }
.Ltmp0:
0x1a: {  	(pc) =	sbr.rel @p0 .LBB2_2-.Ltmp0, $4  }
0x1b: {  	_ = 	snop  }
0x1c: {  	s24 =	sand.u32 $0xFE00, s24  }
0x1d: {  	s25 =	sand.u32 $0x70, s23;
	s24 =	sshrl.u32 s24, $0x2  }
0x1e: {  	s24 =	sor.u32 s25, s24  }
0x1f: {  	[tilespmem:s24+$0x5800] =	vst v0  }
0x20: {  	[spmem:s7] =	stream.linear.scatter [tilespmem:s16], [sflag:$0x2], $0x4000, $0x38;
	[tilespmem:$0x1D800] =	vst v63  }
0x21: {  	_ =	swait.ge [sflag:s14], $0x4000  }
0x22: {  	[sflag:s14] =	ssyncset.done $0x0  }
0x23: {  	[sflag:s14] =	ssyncadd.s32 $0xFFFFC000  }
0x24: {  	[spmem:s10] =	stream.linear.scatter [tilespmem:s16], [sflag:$0x2], $0x4000, $0x38;
	[tilespmem:$0x1D800] =	vst v63  }
0x25: {  	_ =	swait.ge [sflag:s14], $0x4000  }
0x26: {  	[sflag:s14] =	ssyncset.done $0x0  }
0x27: {  	[sflag:s14] =	ssyncadd.s32 $0xFFFFC000  }
0x28: {  	[spmem:s11] =	stream.linear.scatter [tilespmem:s16], [sflag:$0x2], $0x4000, $0x38;
	[tilespmem:$0x1D800] =	vst v63  }
0x29: {  	_ =	swait.ge [sflag:s14], $0x4000  }
0x2a: {  	[sflag:s14] =	ssyncset.done $0x0  }
0x2b: {  	[sflag:s14] =	ssyncadd.s32 $0xFFFFC000  }
0x2c: {  	[spmem:s12] =	stream.linear.scatter [tilespmem:s16], [sflag:$0x2], $0x4000, $0x38;
	[tilespmem:$0x1D800] =	vst v63  }
0x2d: {  	_ =	swait.ge [sflag:s14], $0x4000  }
0x2e: {  	[sflag:s14] =	ssyncset.done $0x0  }
0x2f: {  	[sflag:s14] =	ssyncadd.s32 $0xFFFFC000  }
0x30: {  	[spmem:s13] =	stream.linear.scatter [tilespmem:s16], [sflag:$0x2], $0x4000, $0x38;
	[tilespmem:$0x1D800] =	vst v63  }
0x31: {  	_ =	swait.ge [sflag:s14], $0x4000  }
0x32: {  	[sflag:s14] =	ssyncset.done $0x0  }
0x33: {  	[sflag:s14] =	ssyncadd.s32 $0xFFFFC000  }
0x34: {  	s22 =	simm.s32 $0x0;
	[bflag:$0x0] =	sbarrier.arrive $0xFFFF  }
0x35: {  	[tilespmem:s16], [sflag:$0x1] =	stream.indirect.gather [hbm4b:s4+s17], $0x80, s22, s17, $0xb8;
	[tilespmem:$0x1D800] =	vst v63  }
0x36: {  	_ =	swait.ge [sflag:s18], $0x4000  }
0x37: {  	[sflag:s18] =	ssyncset.done $0x0  }
0x38: {  	s31 =	simm.s32 $0x2C00;
	[sflag:s18] =	ssyncadd.s32 $0xFFFFC000  }
0x39: {  	[spmem:s2] =	stream.indirect.scatter.add.f32 [tilespmem:s16], [sflag:$0x2], $0x80, s31, s17, $0xb8;
	[tilespmem:$0x1D800] =	vst v63  }
0x3a: {  	_ =	swait.ge [sflag:s14], $0x4000  }
0x3b: {  	s23 =	simm.s32 $0x400;
	s22 =	simm.s32 $0x200;
	[sflag:s14] =	ssyncset.done $0x0  }
.LBB2_4:
0x3c: {  	s24 =	sshra.s32 s22, $0x2  }
0x3d: {  	[sflag:s14] =	ssyncadd.s32 $0xFFFFC000;
	s22 =	smov.u32 s23;
	s25 =	sadd.s32 $0x200, s23  }
0x3e: {  	[tilespmem:s16], [sflag:$0x1] =	stream.indirect.gather [hbm4b:s4+s17], $0x80, s24, s17, $0xb8;
	[tilespmem:$0x1D800] =	vst v63  }
0x3f: {  	p0 =	sne.s32 s23, $0xA000;
	_ =	swait.ge [sflag:s18], $0x4000  }
.Ltmp1:
0x40: {  	[sflag:s18] =	ssyncset.done $0x0;
	(pc) =	sbr.rel @p0 .LBB2_4-.Ltmp1, $4  }
0x41: {  	s23 =	sadd.s32 $0x2C00, s24;
	[sflag:s18] =	ssyncadd.s32 $0xFFFFC000  }
0x42: {  	[spmem:s2] =	stream.indirect.scatter.add.f32 [tilespmem:s16], [sflag:$0x2], $0x80, s23, s17, $0xb8;
	[tilespmem:$0x1D800] =	vst v63  }
0x43: {  	_ =	swait.ge [sflag:s14], $0x4000  }
0x44: {  	s23 =	smov.u32 s25;
	[sflag:s14] =	ssyncset.done $0x0  }
0x45: {  	s22 =	sshra.s32 s22, $0x2;
	[sflag:s14] =	ssyncadd.s32 $0xFFFFC000  }
0x46: {  	[tilespmem:s16], [sflag:$0x1] =	stream.indirect.gather [hbm4b:s4+s17], $0x80, s22, s17, $0xb8;
	[tilespmem:$0x1D800] =	vst v63  }
0x47: {  	_ =	swait.ge [sflag:s18], $0x4000  }
0x48: {  	[sflag:s18] =	ssyncset.done $0x0  }
0x49: {  	s22 =	sadd.s32 $0x2C00, s22;
	[sflag:s18] =	ssyncadd.s32 $0xFFFFC000  }
0x4a: {  	[spmem:s2] =	stream.indirect.scatter.add.f32 [tilespmem:s16], [sflag:$0x2], $0x80, s22, s17, $0xb8;
	[tilespmem:$0x1D800] =	vst v63  }
0x4b: {  	_ =	swait.ge [sflag:s14], $0x4000  }
0x4c: {  	s21 =	sadd.s32 $0x1, s21;
	[sflag:s14] =	ssyncset.done $0x0  }
0x4d: {  	p0 =	sne.s32 s21, s9;
	[sflag:s14] =	ssyncadd.s32 $0xFFFFC000  }
.Ltmp2:
0x4e: {  	[bflag:$0x0] =	sbarrier.arrive $0xFFFF;
	(pc) =	sbr.rel @p0 .LBB2_1-.Ltmp2, $4  }
0x4f: {  	[hbm:s8], [sflag:s19] =	dma.local [spmem:s20], $0x2800  }
0x50: {  	_ =	swait.ge [sflag:s14], $0x2800  }
0x51: {  	[sflag:s14] =	ssyncset.done $0x0  }
0x52: {  	[sflag:s14] =	ssyncadd.s32 $0xFFFFD800  }
0x53: {  	_ =	sfence.sel $0x180000  }
0x54: {  	[bflag:$0x0] =	sbarrier.arrive $0xFFFF  }
0x55: {  	p0 =	sne.s32 s0, $0x0;
	_ =	strace $0x9000004A  }
0x56: {  	s0 =	sadd.s32 @!p0 $0x100000, s1;
	[bflag:$0x2] =	sbarrier.arrive $0xFFFF  }
0x57: {  	[sflag:s0] =	ssyncadd.tile.s32 @!p0 $0x1;
	_ =	shalt  }
.Lfunc_end2:
_tile_overlayer_lowered:
.L_overlay_start_2:
0x58: {  	(tag) =	ssettag $0x2  }
0x59: {  	s0 =	rddreg [dreg:$0x0];
	s2 =	stileid.u32  }
0x5a: {  	s1 =	rddreg [dreg:$0x1];
	p0 =	sne.s32 s2, $0x0  }
0x5b: {  	s3 =	rddreg [dreg:$0x2];
	[bflag:$0x3] =	sbarrier.arrive $0xFFFF;
	s2 =	simm.s32 @!p0 $0x1C02  }
0x5c: {  	[timem:s3], [sflag:s2] =	dma.local @!p0 [hbm:s0], s1  }
0x5d: {  	s0 =	simm.s32 @!p0 $0x2  }
0x5e: {  	_ =	swait.ge @!p0 [sflag:s0], s1  }
0x5f: {  	s1 =	ssub.s32 @!p0 $0x0, s1;
	[sflag:s0] =	ssyncset.done @!p0 $0x0  }
0x60: {  	[sflag:s0] =	ssyncadd.s32 @!p0 s1  }
0x61: {  	[bflag:$0x3] =	sbarrier.arrive $0xFFFF  }
0x62: {  	_ =	shalt  }

</sc_bundles>
